<compile_context>
chip_gen: v7x
topology: tpu7x:2x2x1
jax: 0.10.2.dev20260603
libtpu: 0.0.44.dev20260713+nightly
codegen_flags: <defaults>
</compile_context>

<pallas_src>
import functools

import jax
import jax.numpy as jnp
import numpy as np
from jax import lax
from jax.experimental import pallas as pl
from jax.experimental.pallas import tpu as pltpu
from jax.experimental.pallas import tpu_sc as plsc

N = 20000
K = 1000
IOU_THRESH = 0.7
NEG = np.float32(-1e9)
PAD_SCORE = np.float32(-3.0e38)

NC = 2
NS = 16
L = 16


def _build(n_pad, k_sel, per, out_pad):
  chunks = per // L
  mesh = plsc.VectorSubcoreMesh(
      core_axis_name="c", subcore_axis_name="s", num_cores=NC,
      num_subcores=NS)

  @functools.partial(
      pl.kernel,
      out_type=jax.ShapeDtypeStruct((out_pad,), jnp.float32),
      mesh=mesh,
      compiler_params=pltpu.CompilerParams(needs_layout_passes=False),
      scratch_types=[
          pltpu.VMEM((n_pad,), jnp.float32),
          pltpu.VMEM((n_pad,), jnp.float32),
          pltpu.VMEM((n_pad,), jnp.float32),
          pltpu.VMEM((n_pad,), jnp.float32),
          pltpu.VMEM((n_pad,), jnp.float32),
          pltpu.VMEM((per,), jnp.float32),
          pltpu.VMEM((out_pad,), jnp.float32),
          pltpu.VMEM((L,), jnp.float32),
          pltpu.VMEM((NS * L,), jnp.float32),
          pltpu.VMEM_SHARED((2 * NS * L,), jnp.float32),
      ],
  )
  def nms(x1_hbm, y1_hbm, x2_hbm, y2_hbm, s_hbm, out_hbm,
          bx1, by1, bx2, by2, bar, sv, outv, stg, cand, shared):
    cid = lax.axis_index("c")
    sid = lax.axis_index("s")
    base = sid * per
    lane = lax.iota(jnp.int32, L)

    pltpu.sync_copy(x1_hbm, bx1)
    pltpu.sync_copy(y1_hbm, by1)
    pltpu.sync_copy(x2_hbm, bx2)
    pltpu.sync_copy(y2_hbm, by2)
    pltpu.sync_copy(s_hbm.at[pl.ds(base, per)], sv)

    def area_body(i):
      off = i * L
      bar[pl.ds(off, L)] = ((bx2[pl.ds(off, L)] - bx1[pl.ds(off, L)]) *
                            (by2[pl.ds(off, L)] - by1[pl.ds(off, L)]))
    plsc.parallel_loop(0, n_pad // L, unroll=4)(area_body)

    zf = jnp.zeros((L,), jnp.float32)

    def pass_fn(carry):
      (k, p,
       ax1, ay1, ax2, ay2, aarea,
       qx1, qy1, qx2, qy2, qarea) = carry

      m10 = jnp.full((L,), PAD_SCORE, jnp.float32)
      i10 = jnp.zeros((L,), jnp.int32)

      def chunk_body(c, tc):
        m1, i1, m2, i2 = tc
        off = c * L
        goff = base + off
        cx1 = bx1[pl.ds(goff, L)]
        cy1 = by1[pl.ds(goff, L)]
        cx2 = bx2[pl.ds(goff, L)]
        cy2 = by2[pl.ds(goff, L)]
        ca = bar[pl.ds(goff, L)]
        s = sv[pl.ds(off, L)]
        iwa = jnp.maximum(jnp.minimum(ax2, cx2) - jnp.maximum(ax1, cx1), 0.0)
        iha = jnp.maximum(jnp.minimum(ay2, cy2) - jnp.maximum(ay1, cy1), 0.0)
        intera = iwa * iha
        ioua = intera / (aarea + ca - intera)
        iwb = jnp.maximum(jnp.minimum(qx2, cx2) - jnp.maximum(qx1, cx1), 0.0)
        ihb = jnp.maximum(jnp.minimum(qy2, cy2) - jnp.maximum(qy1, cy1), 0.0)
        interb = iwb * ihb
        ioub = interb / (qarea + ca - interb)
        gidx = goff + lane
        supp = jnp.maximum(ioua, ioub) > IOU_THRESH
        s = jnp.where(supp, NEG, s)
        sv[pl.ds(off, L)] = s
        c1 = (s > m1) | ((s == m1) & (gidx < i1))
        c2 = (s > m2) | ((s == m2) & (gidx < i2))
        m2n = jnp.where(c1, m1, jnp.where(c2, s, m2))
        i2n = jnp.where(c1, i1, jnp.where(c2, gidx, i2))
        m1n = jnp.where(c1, s, m1)
        i1n = jnp.where(c1, gidx, i1)
        return m1n, i1n, m2n, i2n

      m1, i1, m2, i2 = plsc.parallel_loop(
          0, chunks, unroll=2, carry=(m10, i10, m10, i10))(chunk_body)

      tg1 = jnp.max(m1)
      ti1 = jnp.min(jnp.where(m1 == tg1, i1, jnp.int32(2**30)))
      cand2 = jnp.where(i1 == ti1, m2, m1)
      tg2 = jnp.max(cand2)
      candi = jnp.where((m1 == tg2) & (i1 != ti1), i1,
                        jnp.where(m2 == tg2, i2, jnp.int32(2**30)))
      ti2 = jnp.min(candi)

      pub = jnp.where(lane == 0, tg1,
                      jnp.where(lane == 1, ti1.astype(jnp.float32),
                                jnp.where(lane == 2, tg2,
                                          jnp.where(lane == 3,
                                                    ti2.astype(jnp.float32),
                                                    0.0))))
      stg[...] = pub
      pltpu.sync_copy(stg, shared.at[pl.ds((p * NS + sid) * L, L)])
      plsc.subcore_barrier()
      pltpu.sync_copy(shared.at[pl.ds(p * NS * L, NS * L)], cand)

      v1 = plsc.load_gather(cand, [lane * L])
      j1 = plsc.load_gather(cand, [lane * L + 1])
      v2 = plsc.load_gather(cand, [lane * L + 2])
      j2 = plsc.load_gather(cand, [lane * L + 3])
      g1 = jnp.max(v1)
      i1f = jnp.min(jnp.where(v1 == g1, j1, jnp.float32(3e9)))
      gc2 = jnp.where(j1 == i1f, v2, v1)
      g2 = jnp.max(gc2)
      gci = jnp.where((v1 == g2) & (j1 != i1f), j1,
                      jnp.where(v2 == g2, j2, jnp.float32(3e9)))
      i2f = jnp.min(gci)

      ia = jnp.zeros((L,), jnp.int32) + i1f.astype(jnp.int32)
      ib = jnp.zeros((L,), jnp.int32) + i2f.astype(jnp.int32)
      nax1 = plsc.load_gather(bx1, [ia])
      nay1 = plsc.load_gather(by1, [ia])
      nax2 = plsc.load_gather(bx2, [ia])
      nay2 = plsc.load_gather(by2, [ia])
      naar = plsc.load_gather(bar, [ia])
      wbx1 = plsc.load_gather(bx1, [ib])
      wby1 = plsc.load_gather(by1, [ib])
      wbx2 = plsc.load_gather(bx2, [ib])
      wby2 = plsc.load_gather(by2, [ib])
      wbar = plsc.load_gather(bar, [ib])

      iw = jnp.maximum(jnp.minimum(nax2, wbx2) - jnp.maximum(nax1, wbx1), 0.0)
      ih = jnp.maximum(jnp.minimum(nay2, wby2) - jnp.maximum(nay1, wby1), 0.0)
      inter = iw * ih
      iouab = inter / (naar + wbar - inter + 1e-9)
      fusedv = (iouab <= IOU_THRESH) & (g2 > -0.5) & (k + 1 < k_sel)
      fused = jnp.max(fusedv.astype(jnp.int32))

      row1 = jnp.where(lane == 0, nax1,
                       jnp.where(lane == 1, nay1,
                                 jnp.where(lane == 2, nax2,
                                           jnp.where(lane == 3, nay2, g1))))
      plsc.store_scatter(outv, [k * 5 + lane], row1, mask=lane < 5)
      row2 = jnp.where(lane == 0, wbx1,
                       jnp.where(lane == 1, wby1,
                                 jnp.where(lane == 2, wbx2,
                                           jnp.where(lane == 3, wby2, g2))))
      plsc.store_scatter(outv, [(k + 1) * 5 + lane], row2,
                         mask=(lane < 5) & fusedv)

      nqx1 = jnp.where(fusedv, wbx1, 0.0)
      nqy1 = jnp.where(fusedv, wby1, 0.0)
      nqx2 = jnp.where(fusedv, wbx2, 0.0)
      nqy2 = jnp.where(fusedv, wby2, 0.0)
      nqar = jnp.where(fusedv, wbar, 0.0)

      return (k + 1 + fused, 1 - p,
              nax1, nay1, nax2, nay2, naar,
              nqx1, nqy1, nqx2, nqy2, nqar)

    init = (jnp.int32(0), jnp.int32(0),
            zf, zf, zf, zf, zf,
            zf, zf, zf, zf, zf)
    lax.while_loop(lambda c: c[0] < k_sel, pass_fn, init)

    @pl.when((cid == 0) & (sid == 0))
    def _():
      pltpu.sync_copy(outv, out_hbm)

  return nms


def _pad_to(x, size, fill):
  return jnp.concatenate(
      [x, jnp.full((size - x.shape[0],), fill, x.dtype)])


@jax.jit
def kernel(boxes, scores):
  per = ((N + NS - 1) // NS + 4 * L - 1) // (4 * L) * (4 * L)
  n_pad = per * NS
  out_pad = ((K * 5 + 63) // 64) * 64
  x1 = _pad_to(boxes[:, 0], n_pad, 0.0)
  y1 = _pad_to(boxes[:, 1], n_pad, 0.0)
  x2 = _pad_to(boxes[:, 2], n_pad, 0.0)
  y2 = _pad_to(boxes[:, 3], n_pad, 0.0)
  s = _pad_to(scores, n_pad, PAD_SCORE)
  out = _build(n_pad, K, per, out_pad)(x1, y1, x2, y2, s)
  return out[:K * 5].reshape(K, 5)

# --- scband reference (transcript-rebuilt; emitter-appended) ---
"""Pipeline reference for scband-faster-rcnn-48713519072066 (READ-ONLY COPY).

The authoritative reference and input builder live on the scoring server;
editing this copy changes nothing except your own understanding.
"""

import jax, jax.numpy as jnp
import numpy as np

N = 20000
K = 1000           # post_nms_top_n
IOU_THRESH = 0.7   # nms_thresh


def setup_inputs(seed: int = 0) -> dict:
    key = jax.random.key(seed)
    k1, k2, k3 = jax.random.split(key, 3)
    # valid xyxy boxes inside a ~1280x1280 image
    xy = jax.random.uniform(k1, (N, 2), dtype=jnp.float32) * 1024.0
    wh = jax.random.uniform(k2, (N, 2), dtype=jnp.float32) * 256.0 + 1.0
    boxes = jnp.concatenate([xy, xy + wh], axis=1)
    scores = jax.random.uniform(k3, (N,), dtype=jnp.float32)
    return {"boxes": boxes, "scores": scores}


def _iou_one_vs_all(box, boxes):
    # box: [4] xyxy, boxes: [N, 4] xyxy
    lt = jnp.maximum(box[:2], boxes[:, :2])
    rb = jnp.minimum(box[2:], boxes[:, 2:])
    wh = jnp.clip(rb - lt, 0.0)
    inter = wh[:, 0] * wh[:, 1]
    area1 = (box[2] - box[0]) * (box[3] - box[1])
    area2 = (boxes[:, 2] - boxes[:, 0]) * (boxes[:, 3] - boxes[:, 1])
    return inter / (area1 + area2 - inter + 1e-9)


def reference(boxes, scores):
    # Greedy hard NMS as used in FasterRCNN RPN filter_proposals:
    # repeatedly pick the highest-scoring box, suppress boxes with IoU > thresh,
    # keep up to post_nms_top_n proposals.
    neg = jnp.float32(-1e9)
    n = boxes.shape[0]
    idx_range = jnp.arange(n)

    def step(s, _):
        i = jnp.argmax(s)
        b = boxes[i]
        sc = s[i]
        iou = _iou_one_vs_all(b, boxes)
        suppress = (iou > IOU_THRESH) | (idx_range == i)
        s_new = jnp.where(suppress, neg, s)
        return s_new, (b, sc)

    _, (keep_boxes, keep_scores) = jax.lax.scan(step, scores, None, length=K)
    # [K, 5]: selected boxes with their scores
    return jnp.concatenate([keep_boxes, keep_scores[:, None]], axis=1)

if __name__ == "__main__":
    import jax
    _d = setup_inputs()
    print(jax.jit(kernel)(*tuple(_d.values())))

</pallas_src>

<mosaic_0001>
#map = affine_map<(d0, d1) -> (0)>
module attributes {stable_mosaic.version = 14 : i64} {
  func.func @nms(%arg0: i32, %arg1: i32, %arg2: memref<20480xf32, #tpu.memory_space<hbm>>, %arg3: memref<20480xf32, #tpu.memory_space<hbm>>, %arg4: memref<20480xf32, #tpu.memory_space<hbm>>, %arg5: memref<20480xf32, #tpu.memory_space<hbm>>, %arg6: memref<20480xf32, #tpu.memory_space<hbm>>, %arg7: memref<5056xf32, #tpu.memory_space<hbm>>, %arg8: memref<20480xf32, #tpu.memory_space<vmem>>, %arg9: memref<20480xf32, #tpu.memory_space<vmem>>, %arg10: memref<20480xf32, #tpu.memory_space<vmem>>, %arg11: memref<20480xf32, #tpu.memory_space<vmem>>, %arg12: memref<20480xf32, #tpu.memory_space<vmem>>, %arg13: memref<1280xf32, #tpu.memory_space<vmem>>, %arg14: memref<5056xf32, #tpu.memory_space<vmem>>, %arg15: memref<16xf32, #tpu.memory_space<vmem>>, %arg16: memref<256xf32, #tpu.memory_space<vmem>>, %arg17: memref<512xf32, #tpu.memory_space<vmem_shared>>) attributes {dimension_semantics = [#tpu.dimension_semantics<core_parallel>, #tpu.dimension_semantics<subcore_parallel>], iteration_bounds = array<i64: 2, 16>, scalar_prefetch = 0 : i64, scratch_operands = 10 : i64, tpu.core_type = #tpu.core_type<sc_vector_subcore>, window_params = [{transform_indices = #map}, {transform_indices = #map}, {transform_indices = #map}, {transform_indices = #map}, {transform_indices = #map}, {transform_indices = #map}]} {
    %mul3A = arith.constant 1280 : i32
    %mul3A_0 = arith.muli %arg1, %mul3A : i32
    %iota3A = tpu.iota {dimensions = array<i32: 0>} : vector<16xi32>
    "tpu.region"() ({
      %run_scoped3A = tpu.sem_alloc : memref<!tpu.dma_semaphore, #tpu.memory_space<semaphore_mem>>
      tpu.enqueue_dma source(%arg2 : memref<20480xf32, #tpu.memory_space<hbm>>) target(%arg8 : memref<20480xf32, #tpu.memory_space<vmem>>) target_semaphore(%run_scoped3A : memref<!tpu.dma_semaphore, #tpu.memory_space<semaphore_mem>>)
      tpu.wait_dma2 semaphore(%run_scoped3A : memref<!tpu.dma_semaphore, #tpu.memory_space<semaphore_mem>>) src(%arg2 : memref<20480xf32, #tpu.memory_space<hbm>>) dst(%arg8 : memref<20480xf32, #tpu.memory_space<vmem>>)
      tpu.yield
    }) : () -> ()
    "tpu.region"() ({
      %run_scoped3A = tpu.sem_alloc : memref<!tpu.dma_semaphore, #tpu.memory_space<semaphore_mem>>
      tpu.enqueue_dma source(%arg3 : memref<20480xf32, #tpu.memory_space<hbm>>) target(%arg9 : memref<20480xf32, #tpu.memory_space<vmem>>) target_semaphore(%run_scoped3A : memref<!tpu.dma_semaphore, #tpu.memory_space<semaphore_mem>>)
      tpu.wait_dma2 semaphore(%run_scoped3A : memref<!tpu.dma_semaphore, #tpu.memory_space<semaphore_mem>>) src(%arg3 : memref<20480xf32, #tpu.memory_space<hbm>>) dst(%arg9 : memref<20480xf32, #tpu.memory_space<vmem>>)
      tpu.yield
    }) : () -> ()
    "tpu.region"() ({
      %run_scoped3A = tpu.sem_alloc : memref<!tpu.dma_semaphore, #tpu.memory_space<semaphore_mem>>
      tpu.enqueue_dma source(%arg4 : memref<20480xf32, #tpu.memory_space<hbm>>) target(%arg10 : memref<20480xf32, #tpu.memory_space<vmem>>) target_semaphore(%run_scoped3A : memref<!tpu.dma_semaphore, #tpu.memory_space<semaphore_mem>>)
      tpu.wait_dma2 semaphore(%run_scoped3A : memref<!tpu.dma_semaphore, #tpu.memory_space<semaphore_mem>>) src(%arg4 : memref<20480xf32, #tpu.memory_space<hbm>>) dst(%arg10 : memref<20480xf32, #tpu.memory_space<vmem>>)
      tpu.yield
    }) : () -> ()
    "tpu.region"() ({
      %run_scoped3A = tpu.sem_alloc : memref<!tpu.dma_semaphore, #tpu.memory_space<semaphore_mem>>
      tpu.enqueue_dma source(%arg5 : memref<20480xf32, #tpu.memory_space<hbm>>) target(%arg11 : memref<20480xf32, #tpu.memory_space<vmem>>) target_semaphore(%run_scoped3A : memref<!tpu.dma_semaphore, #tpu.memory_space<semaphore_mem>>)
      tpu.wait_dma2 semaphore(%run_scoped3A : memref<!tpu.dma_semaphore, #tpu.memory_space<semaphore_mem>>) src(%arg5 : memref<20480xf32, #tpu.memory_space<hbm>>) dst(%arg11 : memref<20480xf32, #tpu.memory_space<vmem>>)
      tpu.yield
    }) : () -> ()
    "tpu.region"() ({
      %run_scoped3A = tpu.sem_alloc : memref<!tpu.dma_semaphore, #tpu.memory_space<semaphore_mem>>
      %dma_start3A = tpu.memref_slice %arg6[%mul3A_0] : memref<20480xf32, #tpu.memory_space<hbm>> -> memref<1280xf32, #tpu.memory_space<hbm>>
      %dma_start3A_10 = tpu.memref_slice %arg6[%mul3A_0] : memref<20480xf32, #tpu.memory_space<hbm>> -> memref<1280xf32, #tpu.memory_space<hbm>>
      tpu.enqueue_dma source(%dma_start3A_10 : memref<1280xf32, #tpu.memory_space<hbm>>) target(%arg13 : memref<1280xf32, #tpu.memory_space<vmem>>) target_semaphore(%run_scoped3A : memref<!tpu.dma_semaphore, #tpu.memory_space<semaphore_mem>>)
      %dma_wait3A = tpu.memref_slice %arg6[%mul3A_0] : memref<20480xf32, #tpu.memory_space<hbm>> -> memref<1280xf32, #tpu.memory_space<hbm>>
      %dma_wait3A_11 = tpu.memref_slice %arg6[%mul3A_0] : memref<20480xf32, #tpu.memory_space<hbm>> -> memref<1280xf32, #tpu.memory_space<hbm>>
      tpu.wait_dma2 semaphore(%run_scoped3A : memref<!tpu.dma_semaphore, #tpu.memory_space<semaphore_mem>>) src(%dma_wait3A_11 : memref<1280xf32, #tpu.memory_space<hbm>>) dst(%arg13 : memref<1280xf32, #tpu.memory_space<vmem>>)
      tpu.yield
    }) : () -> ()
    %parallel_loop3A = arith.constant 0 : i32
    %parallel_loop3A_1 = arith.constant 1280 : i32
    %parallel_loop3A_2 = arith.constant 1 : i32
    scf.for %parallel_loop3A_10 = %parallel_loop3A to %parallel_loop3A_1 step %parallel_loop3A_2  : i32 {
      %parallel_loop3A_11 = arith.constant 16 : i32
      %parallel_loop3A_12 = arith.muli %parallel_loop3A_10, %parallel_loop3A_11 : i32
      %parallel_loop3A_13 = arith.index_cast %parallel_loop3A_12 : i32 to index
      %parallel_loop3A_14 = tpu.vector_load %arg10[%parallel_loop3A_13] {strides = array<i32>} : memref<20480xf32, #tpu.memory_space<vmem>>, vector<16xf32>,
      %parallel_loop3A_15 = arith.index_cast %parallel_loop3A_12 : i32 to index
      %parallel_loop3A_16 = tpu.vector_load %arg8[%parallel_loop3A_15] {strides = array<i32>} : memref<20480xf32, #tpu.memory_space<vmem>>, vector<16xf32>,
      %parallel_loop3A_17 = arith.subf %parallel_loop3A_14, %parallel_loop3A_16 : vector<16xf32>
      %parallel_loop3A_18 = arith.index_cast %parallel_loop3A_12 : i32 to index
      %parallel_loop3A_19 = tpu.vector_load %arg11[%parallel_loop3A_18] {strides = array<i32>} : memref<20480xf32, #tpu.memory_space<vmem>>, vector<16xf32>,
      %parallel_loop3A_20 = arith.index_cast %parallel_loop3A_12 : i32 to index
      %parallel_loop3A_21 = tpu.vector_load %arg9[%parallel_loop3A_20] {strides = array<i32>} : memref<20480xf32, #tpu.memory_space<vmem>>, vector<16xf32>,
      %parallel_loop3A_22 = arith.subf %parallel_loop3A_19, %parallel_loop3A_21 : vector<16xf32>
      %parallel_loop3A_23 = arith.mulf %parallel_loop3A_17, %parallel_loop3A_22 : vector<16xf32>
      %parallel_loop3A_24 = arith.index_cast %parallel_loop3A_12 : i32 to index
      %parallel_loop3A_25 = tpu.vector_load %arg12[%parallel_loop3A_24] {strides = array<i32>} : memref<20480xf32, #tpu.memory_space<vmem>>, vector<16xf32>,
      tpu.vector_store %arg12[%parallel_loop3A_24], %parallel_loop3A_23 {strides = array<i32>} : memref<20480xf32, #tpu.memory_space<vmem>>, vector<16xf32>,
    } {sc.loop_unroll_factor = 4 : i64, sc.parallel_access}
    %broadcast_in_dim3A = arith.constant 0.000000e+00 : f32
    %broadcast_in_dim3A_3 = vector.broadcast %broadcast_in_dim3A : f32 to vector<16xf32>
    %while3A = arith.constant 0 : i32
    %while3A_4 = arith.constant 0 : i32
    %while3A_5:12 = scf.while (%while3A_10 = %while3A, %while3A_11 = %while3A_4, %while3A_12 = %broadcast_in_dim3A_3, %while3A_13 = %broadcast_in_dim3A_3, %while3A_14 = %broadcast_in_dim3A_3, %while3A_15 = %broadcast_in_dim3A_3, %while3A_16 = %broadcast_in_dim3A_3, %while3A_17 = %broadcast_in_dim3A_3, %while3A_18 = %broadcast_in_dim3A_3, %while3A_19 = %broadcast_in_dim3A_3, %while3A_20 = %broadcast_in_dim3A_3, %while3A_21 = %broadcast_in_dim3A_3) : (i32, i32, vector<16xf32>, vector<16xf32>, vector<16xf32>, vector<16xf32>, vector<16xf32>, vector<16xf32>, vector<16xf32>, vector<16xf32>, vector<16xf32>, vector<16xf32>) -> (i32, i32, vector<16xf32>, vector<16xf32>, vector<16xf32>, vector<16xf32>, vector<16xf32>, vector<16xf32>, vector<16xf32>, vector<16xf32>, vector<16xf32>, vector<16xf32>) {
      %lt3A = arith.constant 1000 : i32
      %lt3A_22 = arith.cmpi slt, %while3A_10, %lt3A : i32
      scf.condition(%lt3A_22) %while3A_10, %while3A_11, %while3A_12, %while3A_13, %while3A_14, %while3A_15, %while3A_16, %while3A_17, %while3A_18, %while3A_19, %while3A_20, %while3A_21 : i32, i32, vector<16xf32>, vector<16xf32>, vector<16xf32>, vector<16xf32>, vector<16xf32>, vector<16xf32>, vector<16xf32>, vector<16xf32>, vector<16xf32>, vector<16xf32>
    } do {
    ^bb0(%while3A_10: i32, %while3A_11: i32, %while3A_12: vector<16xf32>, %while3A_13: vector<16xf32>, %while3A_14: vector<16xf32>, %while3A_15: vector<16xf32>, %while3A_16: vector<16xf32>, %while3A_17: vector<16xf32>, %while3A_18: vector<16xf32>, %while3A_19: vector<16xf32>, %while3A_20: vector<16xf32>, %while3A_21: vector<16xf32>):
      %broadcast_in_dim3A_22 = arith.constant -3.000000e+38 : f32
      %broadcast_in_dim3A_23 = vector.broadcast %broadcast_in_dim3A_22 : f32 to vector<16xf32>
      %broadcast_in_dim3A_24 = arith.constant 0 : i32
      %broadcast_in_dim3A_25 = vector.broadcast %broadcast_in_dim3A_24 : i32 to vector<16xi32>
      %parallel_loop3A_26 = arith.constant 0 : i32
      %parallel_loop3A_27 = arith.constant 80 : i32
      %parallel_loop3A_28 = arith.constant 1 : i32
      %parallel_loop3A_29:4 = scf.for %parallel_loop3A_285 = %parallel_loop3A_26 to %parallel_loop3A_27 step %parallel_loop3A_28 iter_args(%parallel_loop3A_286 = %broadcast_in_dim3A_23, %parallel_loop3A_287 = %broadcast_in_dim3A_25, %parallel_loop3A_288 = %broadcast_in_dim3A_23, %parallel_loop3A_289 = %broadcast_in_dim3A_25) -> (vector<16xf32>, vector<16xi32>, vector<16xf32>, vector<16xi32>)  : i32 {
        %parallel_loop3A_290 = arith.constant 16 : i32
        %parallel_loop3A_291 = arith.muli %parallel_loop3A_285, %parallel_loop3A_290 : i32
        %parallel_loop3A_292 = arith.addi %mul3A_0, %parallel_loop3A_291 : i32
        %parallel_loop3A_293 = arith.index_cast %parallel_loop3A_292 : i32 to index
        %parallel_loop3A_294 = tpu.vector_load %arg8[%parallel_loop3A_293] {strides = array<i32>} : memref<20480xf32, #tpu.memory_space<vmem>>, vector<16xf32>,
        %parallel_loop3A_295 = arith.index_cast %parallel_loop3A_292 : i32 to index
        %parallel_loop3A_296 = tpu.vector_load %arg9[%parallel_loop3A_295] {strides = array<i32>} : memref<20480xf32, #tpu.memory_space<vmem>>, vector<16xf32>,
        %parallel_loop3A_297 = arith.index_cast %parallel_loop3A_292 : i32 to index
        %parallel_loop3A_298 = tpu.vector_load %arg10[%parallel_loop3A_297] {strides = array<i32>} : memref<20480xf32, #tpu.memory_space<vmem>>, vector<16xf32>,
        %parallel_loop3A_299 = arith.index_cast %parallel_loop3A_292 : i32 to index
        %parallel_loop3A_300 = tpu.vector_load %arg11[%parallel_loop3A_299] {strides = array<i32>} : memref<20480xf32, #tpu.memory_space<vmem>>, vector<16xf32>,
        %parallel_loop3A_301 = arith.index_cast %parallel_loop3A_292 : i32 to index
        %parallel_loop3A_302 = tpu.vector_load %arg12[%parallel_loop3A_301] {strides = array<i32>} : memref<20480xf32, #tpu.memory_space<vmem>>, vector<16xf32>,
        %parallel_loop3A_303 = arith.index_cast %parallel_loop3A_291 : i32 to index
        %parallel_loop3A_304 = tpu.vector_load %arg13[%parallel_loop3A_303] {strides = array<i32>} : memref<1280xf32, #tpu.memory_space<vmem>>, vector<16xf32>,
        %parallel_loop3A_305 = arith.minimumf %while3A_14, %parallel_loop3A_298 : vector<16xf32>
        %parallel_loop3A_306 = arith.maximumf %while3A_12, %parallel_loop3A_294 : vector<16xf32>
        %parallel_loop3A_307 = arith.subf %parallel_loop3A_305, %parallel_loop3A_306 : vector<16xf32>
        %parallel_loop3A_308 = arith.constant 0.000000e+00 : f32
        %parallel_loop3A_309 = vector.broadcast %parallel_loop3A_308 : f32 to vector<16xf32>
        %parallel_loop3A_310 = arith.maximumf %parallel_loop3A_307, %parallel_loop3A_309 : vector<16xf32>
        %parallel_loop3A_311 = arith.minimumf %while3A_15, %parallel_loop3A_300 : vector<16xf32>
        %parallel_loop3A_312 = arith.maximumf %while3A_13, %parallel_loop3A_296 : vector<16xf32>
        %parallel_loop3A_313 = arith.subf %parallel_loop3A_311, %parallel_loop3A_312 : vector<16xf32>
        %parallel_loop3A_314 = arith.constant 0.000000e+00 : f32
        %parallel_loop3A_315 = vector.broadcast %parallel_loop3A_314 : f32 to vector<16xf32>
        %parallel_loop3A_316 = arith.maximumf %parallel_loop3A_313, %parallel_loop3A_315 : vector<16xf32>
        %parallel_loop3A_317 = arith.mulf %parallel_loop3A_310, %parallel_loop3A_316 : vector<16xf32>
        %parallel_loop3A_318 = arith.addf %while3A_16, %parallel_loop3A_302 : vector<16xf32>
        %parallel_loop3A_319 = arith.subf %parallel_loop3A_318, %parallel_loop3A_317 : vector<16xf32>
        %parallel_loop3A_320 = arith.divf %parallel_loop3A_317, %parallel_loop3A_319 : vector<16xf32>
        %parallel_loop3A_321 = arith.minimumf %while3A_19, %parallel_loop3A_298 : vector<16xf32>
        %parallel_loop3A_322 = arith.maximumf %while3A_17, %parallel_loop3A_294 : vector<16xf32>
        %parallel_loop3A_323 = arith.subf %parallel_loop3A_321, %parallel_loop3A_322 : vector<16xf32>
        %parallel_loop3A_324 = arith.constant 0.000000e+00 : f32
        %parallel_loop3A_325 = vector.broadcast %parallel_loop3A_324 : f32 to vector<16xf32>
        %parallel_loop3A_326 = arith.maximumf %parallel_loop3A_323, %parallel_loop3A_325 : vector<16xf32>
        %parallel_loop3A_327 = arith.minimumf %while3A_20, %parallel_loop3A_300 : vector<16xf32>
        %parallel_loop3A_328 = arith.maximumf %while3A_18, %parallel_loop3A_296 : vector<16xf32>
        %parallel_loop3A_329 = arith.subf %parallel_loop3A_327, %parallel_loop3A_328 : vector<16xf32>
        %parallel_loop3A_330 = arith.constant 0.000000e+00 : f32
        %parallel_loop3A_331 = vector.broadcast %parallel_loop3A_330 : f32 to vector<16xf32>
        %parallel_loop3A_332 = arith.maximumf %parallel_loop3A_329, %parallel_loop3A_331 : vector<16xf32>
        %parallel_loop3A_333 = arith.mulf %parallel_loop3A_326, %parallel_loop3A_332 : vector<16xf32>
        %parallel_loop3A_334 = arith.addf %while3A_21, %parallel_loop3A_302 : vector<16xf32>
        %parallel_loop3A_335 = arith.subf %parallel_loop3A_334, %parallel_loop3A_333 : vector<16xf32>
        %parallel_loop3A_336 = arith.divf %parallel_loop3A_333, %parallel_loop3A_335 : vector<16xf32>
        %parallel_loop3A_337 = vector.broadcast %parallel_loop3A_292 : i32 to vector<16xi32>
        %parallel_loop3A_338 = arith.addi %parallel_loop3A_337, %iota3A : vector<16xi32>
        %parallel_loop3A_339 = arith.maximumf %parallel_loop3A_320, %parallel_loop3A_336 : vector<16xf32>
        %parallel_loop3A_340 = arith.constant 0.699999988 : f32
        %parallel_loop3A_341 = vector.broadcast %parallel_loop3A_340 : f32 to vector<16xf32>
        %parallel_loop3A_342 = arith.cmpf ogt, %parallel_loop3A_339, %parallel_loop3A_341 : vector<16xf32>
        %parallel_loop3A_343 = arith.constant -1.000000e+09 : f32
        %parallel_loop3A_344 = vector.broadcast %parallel_loop3A_343 : f32 to vector<16xf32>
        %parallel_loop3A_345 = arith.select %parallel_loop3A_342, %parallel_loop3A_344, %parallel_loop3A_304 : vector<16xi1>, vector<16xf32>
        %parallel_loop3A_346 = arith.index_cast %parallel_loop3A_291 : i32 to index
        %parallel_loop3A_347 = tpu.vector_load %arg13[%parallel_loop3A_346] {strides = array<i32>} : memref<1280xf32, #tpu.memory_space<vmem>>, vector<16xf32>,
        tpu.vector_store %arg13[%parallel_loop3A_346], %parallel_loop3A_345 {strides = array<i32>} : memref<1280xf32, #tpu.memory_space<vmem>>, vector<16xf32>,
        %parallel_loop3A_348 = arith.cmpf ogt, %parallel_loop3A_345, %parallel_loop3A_286 : vector<16xf32>
        %parallel_loop3A_349 = arith.cmpf oeq, %parallel_loop3A_345, %parallel_loop3A_286 : vector<16xf32>
        %parallel_loop3A_350 = arith.cmpi slt, %parallel_loop3A_338, %parallel_loop3A_287 : vector<16xi32>
        %parallel_loop3A_351 = arith.andi %parallel_loop3A_349, %parallel_loop3A_350 : vector<16xi1>
        %parallel_loop3A_352 = arith.ori %parallel_loop3A_348, %parallel_loop3A_351 : vector<16xi1>
        %parallel_loop3A_353 = arith.cmpf ogt, %parallel_loop3A_345, %parallel_loop3A_288 : vector<16xf32>
        %parallel_loop3A_354 = arith.cmpf oeq, %parallel_loop3A_345, %parallel_loop3A_288 : vector<16xf32>
        %parallel_loop3A_355 = arith.cmpi slt, %parallel_loop3A_338, %parallel_loop3A_289 : vector<16xi32>
        %parallel_loop3A_356 = arith.andi %parallel_loop3A_354, %parallel_loop3A_355 : vector<16xi1>
        %parallel_loop3A_357 = arith.ori %parallel_loop3A_353, %parallel_loop3A_356 : vector<16xi1>
        %parallel_loop3A_358 = arith.select %parallel_loop3A_357, %parallel_loop3A_345, %parallel_loop3A_288 : vector<16xi1>, vector<16xf32>
        %parallel_loop3A_359 = arith.select %parallel_loop3A_352, %parallel_loop3A_286, %parallel_loop3A_358 : vector<16xi1>, vector<16xf32>
        %parallel_loop3A_360 = arith.select %parallel_loop3A_357, %parallel_loop3A_338, %parallel_loop3A_289 : vector<16xi1>, vector<16xi32>
        %parallel_loop3A_361 = arith.select %parallel_loop3A_352, %parallel_loop3A_287, %parallel_loop3A_360 : vector<16xi1>, vector<16xi32>
        %parallel_loop3A_362 = arith.select %parallel_loop3A_352, %parallel_loop3A_345, %parallel_loop3A_286 : vector<16xi1>, vector<16xf32>
        %parallel_loop3A_363 = arith.select %parallel_loop3A_352, %parallel_loop3A_338, %parallel_loop3A_287 : vector<16xi1>, vector<16xi32>
        scf.yield %parallel_loop3A_362, %parallel_loop3A_363, %parallel_loop3A_359, %parallel_loop3A_361 : vector<16xf32>, vector<16xi32>, vector<16xf32>, vector<16xi32>
      } {sc.loop_unroll_factor = 2 : i64, sc.parallel_access}
      %reduce_max3A = arith.constant true
      %reduce_max3A_30 = vector.broadcast %reduce_max3A : i1 to vector<16xi1>
      %reduce_max3A_31 = tpu.scan <max>, %parallel_loop3A_29#0 masked %reduce_max3A_30 : vector<16xf32>, vector<16xi1> -> vector<16xf32>
      %reduce_max3A_32 = vector.extract %reduce_max3A_31[15] : f32 from vector<16xf32>
      %eq3A_33 = vector.broadcast %reduce_max3A_32 : f32 to vector<16xf32>
      %eq3A_34 = arith.cmpf oeq, %parallel_loop3A_29#0, %eq3A_33 : vector<16xf32>
      %jit3A = arith.constant 1073741824 : i32
      %broadcast_in_dim3A_35 = vector.broadcast %jit3A : i32 to vector<16xi32>
      %select_n3A = arith.select %eq3A_34, %parallel_loop3A_29#1, %broadcast_in_dim3A_35 : vector<16xi1>, vector<16xi32>
      %reduce_min3A = arith.constant true
      %reduce_min3A_36 = vector.broadcast %reduce_min3A : i1 to vector<16xi1>
      %reduce_min3A_37 = arith.constant -2147483648 : i32
      %reduce_min3A_38 = vector.broadcast %reduce_min3A_37 : i32 to vector<16xi32>
      %reduce_min3A_39 = arith.xori %select_n3A, %reduce_min3A_38 : vector<16xi32>
      %reduce_min3A_40 = tpu.scan <min>, %reduce_min3A_39 masked %reduce_min3A_36 : vector<16xi32>, vector<16xi1> -> vector<16xi32>
      %reduce_min3A_41 = arith.xori %reduce_min3A_40, %reduce_min3A_38 : vector<16xi32>
      %reduce_min3A_42 = vector.extract %reduce_min3A_41[15] : i32 from vector<16xi32>
      %eq3A_43 = vector.broadcast %reduce_min3A_42 : i32 to vector<16xi32>
      %eq3A_44 = arith.cmpi eq, %parallel_loop3A_29#1, %eq3A_43 : vector<16xi32>
      %select_n3A_45 = arith.select %eq3A_44, %parallel_loop3A_29#2, %parallel_loop3A_29#0 : vector<16xi1>, vector<16xf32>
      %reduce_max3A_46 = arith.constant true
      %reduce_max3A_47 = vector.broadcast %reduce_max3A_46 : i1 to vector<16xi1>
      %reduce_max3A_48 = tpu.scan <max>, %select_n3A_45 masked %reduce_max3A_47 : vector<16xf32>, vector<16xi1> -> vector<16xf32>
      %reduce_max3A_49 = vector.extract %reduce_max3A_48[15] : f32 from vector<16xf32>
      %eq3A_50 = vector.broadcast %reduce_max3A_49 : f32 to vector<16xf32>
      %eq3A_51 = arith.cmpf oeq, %parallel_loop3A_29#0, %eq3A_50 : vector<16xf32>
      %ne3A = vector.broadcast %reduce_min3A_42 : i32 to vector<16xi32>
      %ne3A_52 = arith.cmpi ne, %parallel_loop3A_29#1, %ne3A : vector<16xi32>
      %and3A_53 = arith.andi %eq3A_51, %ne3A_52 : vector<16xi1>
      %eq3A_54 = vector.broadcast %reduce_max3A_49 : f32 to vector<16xf32>
      %eq3A_55 = arith.cmpf oeq, %parallel_loop3A_29#2, %eq3A_54 : vector<16xf32>
      %jit3A_56 = arith.constant 1073741824 : i32
      %broadcast_in_dim3A_57 = vector.broadcast %jit3A_56 : i32 to vector<16xi32>
      %select_n3A_58 = arith.select %eq3A_55, %parallel_loop3A_29#3, %broadcast_in_dim3A_57 : vector<16xi1>, vector<16xi32>
      %select_n3A_59 = arith.select %and3A_53, %parallel_loop3A_29#1, %select_n3A_58 : vector<16xi1>, vector<16xi32>
      %reduce_min3A_60 = arith.constant true
      %reduce_min3A_61 = vector.broadcast %reduce_min3A_60 : i1 to vector<16xi1>
      %reduce_min3A_62 = arith.constant -2147483648 : i32
      %reduce_min3A_63 = vector.broadcast %reduce_min3A_62 : i32 to vector<16xi32>
      %reduce_min3A_64 = arith.xori %select_n3A_59, %reduce_min3A_63 : vector<16xi32>
      %reduce_min3A_65 = tpu.scan <min>, %reduce_min3A_64 masked %reduce_min3A_61 : vector<16xi32>, vector<16xi1> -> vector<16xi32>
      %reduce_min3A_66 = arith.xori %reduce_min3A_65, %reduce_min3A_63 : vector<16xi32>
      %reduce_min3A_67 = vector.extract %reduce_min3A_66[15] : i32 from vector<16xi32>
      %eq3A_68 = arith.constant 0 : i32
      %eq3A_69 = vector.broadcast %eq3A_68 : i32 to vector<16xi32>
      %eq3A_70 = arith.cmpi eq, %iota3A, %eq3A_69 : vector<16xi32>
      %eq3A_71 = arith.constant 1 : i32
      %eq3A_72 = vector.broadcast %eq3A_71 : i32 to vector<16xi32>
      %eq3A_73 = arith.cmpi eq, %iota3A, %eq3A_72 : vector<16xi32>
      %convert_element_type3A_74 = arith.sitofp %reduce_min3A_42 : i32 to f32
      %eq3A_75 = arith.constant 2 : i32
      %eq3A_76 = vector.broadcast %eq3A_75 : i32 to vector<16xi32>
      %eq3A_77 = arith.cmpi eq, %iota3A, %eq3A_76 : vector<16xi32>
      %eq3A_78 = arith.constant 3 : i32
      %eq3A_79 = vector.broadcast %eq3A_78 : i32 to vector<16xi32>
      %eq3A_80 = arith.cmpi eq, %iota3A, %eq3A_79 : vector<16xi32>
      %convert_element_type3A_81 = arith.sitofp %reduce_min3A_67 : i32 to f32
      %jit3A_82 = arith.constant 0.000000e+00 : f32
      %broadcast_in_dim3A_83 = vector.broadcast %convert_element_type3A_81 : f32 to vector<16xf32>
      %broadcast_in_dim3A_84 = vector.broadcast %jit3A_82 : f32 to vector<16xf32>
      %select_n3A_85 = arith.select %eq3A_80, %broadcast_in_dim3A_83, %broadcast_in_dim3A_84 : vector<16xi1>, vector<16xf32>
      %broadcast_in_dim3A_86 = vector.broadcast %reduce_max3A_49 : f32 to vector<16xf32>
      %select_n3A_87 = arith.select %eq3A_77, %broadcast_in_dim3A_86, %select_n3A_85 : vector<16xi1>, vector<16xf32>
      %broadcast_in_dim3A_88 = vector.broadcast %convert_element_type3A_74 : f32 to vector<16xf32>
      %select_n3A_89 = arith.select %eq3A_73, %broadcast_in_dim3A_88, %select_n3A_87 : vector<16xi1>, vector<16xf32>
      %broadcast_in_dim3A_90 = vector.broadcast %reduce_max3A_32 : f32 to vector<16xf32>
      %select_n3A_91 = arith.select %eq3A_70, %broadcast_in_dim3A_90, %select_n3A_89 : vector<16xi1>, vector<16xf32>
      %swap3A = arith.constant 0 : index
      %swap3A_92 = tpu.vector_load %arg15[%swap3A] {strides = array<i32>} : memref<16xf32, #tpu.memory_space<vmem>>, vector<16xf32>,
      tpu.vector_store %arg15[%swap3A], %select_n3A_91 {strides = array<i32>} : memref<16xf32, #tpu.memory_space<vmem>>, vector<16xf32>,
      %mul3A_93 = arith.constant 16 : i32
      %mul3A_94 = arith.muli %while3A_11, %mul3A_93 : i32
      %add3A = arith.addi %mul3A_94, %arg1 : i32
      %mul3A_95 = arith.constant 16 : i32
      %mul3A_96 = arith.muli %add3A, %mul3A_95 : i32
      "tpu.region"() ({
        %run_scoped3A = tpu.sem_alloc : memref<!tpu.dma_semaphore, #tpu.memory_space<semaphore_mem>>
        %dma_start3A = tpu.memref_slice %arg17[%mul3A_96] : memref<512xf32, #tpu.memory_space<vmem_shared>> -> memref<16xf32, #tpu.memory_space<vmem_shared>>
        %dma_start3A_285 = tpu.memref_slice %arg17[%mul3A_96] : memref<512xf32, #tpu.memory_space<vmem_shared>> -> memref<16xf32, #tpu.memory_space<vmem_shared>>
        tpu.enqueue_dma source(%arg15 : memref<16xf32, #tpu.memory_space<vmem>>) target(%dma_start3A_285 : memref<16xf32, #tpu.memory_space<vmem_shared>>) target_semaphore(%run_scoped3A : memref<!tpu.dma_semaphore, #tpu.memory_space<semaphore_mem>>)
        %dma_wait3A = tpu.memref_slice %arg17[%mul3A_96] : memref<512xf32, #tpu.memory_space<vmem_shared>> -> memref<16xf32, #tpu.memory_space<vmem_shared>>
        %dma_wait3A_286 = tpu.memref_slice %arg17[%mul3A_96] : memref<512xf32, #tpu.memory_space<vmem_shared>> -> memref<16xf32, #tpu.memory_space<vmem_shared>>
        tpu.wait_dma2 semaphore(%run_scoped3A : memref<!tpu.dma_semaphore, #tpu.memory_space<semaphore_mem>>) src(%arg15 : memref<16xf32, #tpu.memory_space<vmem>>) dst(%dma_wait3A_286 : memref<16xf32, #tpu.memory_space<vmem_shared>>)
        tpu.yield
      }) : () -> ()
      %barrier3A = arith.constant 0 : index
      tpu.barrier barrier_id(%barrier3A)
      %mul3A_97 = arith.constant 16 : i32
      %mul3A_98 = arith.muli %while3A_11, %mul3A_97 : i32
      %mul3A_99 = arith.constant 16 : i32
      %mul3A_100 = arith.muli %mul3A_98, %mul3A_99 : i32
      "tpu.region"() ({
        %run_scoped3A = tpu.sem_alloc : memref<!tpu.dma_semaphore, #tpu.memory_space<semaphore_mem>>
        %dma_start3A = tpu.memref_slice %arg17[%mul3A_100] : memref<512xf32, #tpu.memory_space<vmem_shared>> -> memref<256xf32, #tpu.memory_space<vmem_shared>>
        %dma_start3A_285 = tpu.memref_slice %arg17[%mul3A_100] : memref<512xf32, #tpu.memory_space<vmem_shared>> -> memref<256xf32, #tpu.memory_space<vmem_shared>>
        tpu.enqueue_dma source(%dma_start3A_285 : memref<256xf32, #tpu.memory_space<vmem_shared>>) target(%arg16 : memref<256xf32, #tpu.memory_space<vmem>>) target_semaphore(%run_scoped3A : memref<!tpu.dma_semaphore, #tpu.memory_space<semaphore_mem>>)
        %dma_wait3A = tpu.memref_slice %arg17[%mul3A_100] : memref<512xf32, #tpu.memory_space<vmem_shared>> -> memref<256xf32, #tpu.memory_space<vmem_shared>>
        %dma_wait3A_286 = tpu.memref_slice %arg17[%mul3A_100] : memref<512xf32, #tpu.memory_space<vmem_shared>> -> memref<256xf32, #tpu.memory_space<vmem_shared>>
        tpu.wait_dma2 semaphore(%run_scoped3A : memref<!tpu.dma_semaphore, #tpu.memory_space<semaphore_mem>>) src(%dma_wait3A_286 : memref<256xf32, #tpu.memory_space<vmem_shared>>) dst(%arg16 : memref<256xf32, #tpu.memory_space<vmem>>)
        tpu.yield
      }) : () -> ()
      %mul3A_101 = arith.constant 16 : i32
      %mul3A_102 = vector.broadcast %mul3A_101 : i32 to vector<16xi32>
      %mul3A_103 = arith.muli %iota3A, %mul3A_102 : vector<16xi32>
      %gather3A = tpu.vector_load_idx %arg16[%mul3A_103] : memref<256xf32, #tpu.memory_space<vmem>>[vector<16xi32>], vector<16xf32>,
      %mul3A_104 = arith.constant 16 : i32
      %mul3A_105 = vector.broadcast %mul3A_104 : i32 to vector<16xi32>
      %mul3A_106 = arith.muli %iota3A, %mul3A_105 : vector<16xi32>
      %add3A_107 = arith.constant 1 : i32
      %add3A_108 = vector.broadcast %add3A_107 : i32 to vector<16xi32>
      %add3A_109 = arith.addi %mul3A_106, %add3A_108 : vector<16xi32>
      %gather3A_110 = tpu.vector_load_idx %arg16[%add3A_109] : memref<256xf32, #tpu.memory_space<vmem>>[vector<16xi32>], vector<16xf32>,
      %mul3A_111 = arith.constant 16 : i32
      %mul3A_112 = vector.broadcast %mul3A_111 : i32 to vector<16xi32>
      %mul3A_113 = arith.muli %iota3A, %mul3A_112 : vector<16xi32>
      %add3A_114 = arith.constant 2 : i32
      %add3A_115 = vector.broadcast %add3A_114 : i32 to vector<16xi32>
      %add3A_116 = arith.addi %mul3A_113, %add3A_115 : vector<16xi32>
      %gather3A_117 = tpu.vector_load_idx %arg16[%add3A_116] : memref<256xf32, #tpu.memory_space<vmem>>[vector<16xi32>], vector<16xf32>,
      %mul3A_118 = arith.constant 16 : i32
      %mul3A_119 = vector.broadcast %mul3A_118 : i32 to vector<16xi32>
      %mul3A_120 = arith.muli %iota3A, %mul3A_119 : vector<16xi32>
      %add3A_121 = arith.constant 3 : i32
      %add3A_122 = vector.broadcast %add3A_121 : i32 to vector<16xi32>
      %add3A_123 = arith.addi %mul3A_120, %add3A_122 : vector<16xi32>
      %gather3A_124 = tpu.vector_load_idx %arg16[%add3A_123] : memref<256xf32, #tpu.memory_space<vmem>>[vector<16xi32>], vector<16xf32>,
      %reduce_max3A_125 = arith.constant true
      %reduce_max3A_126 = vector.broadcast %reduce_max3A_125 : i1 to vector<16xi1>
      %reduce_max3A_127 = tpu.scan <max>, %gather3A masked %reduce_max3A_126 : vector<16xf32>, vector<16xi1> -> vector<16xf32>
      %reduce_max3A_128 = vector.extract %reduce_max3A_127[15] : f32 from vector<16xf32>
      %eq3A_129 = vector.broadcast %reduce_max3A_128 : f32 to vector<16xf32>
      %eq3A_130 = arith.cmpf oeq, %gather3A, %eq3A_129 : vector<16xf32>
      %jit3A_131 = arith.constant 3.000000e+09 : f32
      %broadcast_in_dim3A_132 = vector.broadcast %jit3A_131 : f32 to vector<16xf32>
      %select_n3A_133 = arith.select %eq3A_130, %gather3A_110, %broadcast_in_dim3A_132 : vector<16xi1>, vector<16xf32>
      %reduce_min3A_134 = arith.constant true
      %reduce_min3A_135 = vector.broadcast %reduce_min3A_134 : i1 to vector<16xi1>
      %reduce_min3A_136 = tpu.scan <min>, %select_n3A_133 masked %reduce_min3A_135 : vector<16xf32>, vector<16xi1> -> vector<16xf32>
      %reduce_min3A_137 = vector.extract %reduce_min3A_136[15] : f32 from vector<16xf32>
      %eq3A_138 = vector.broadcast %reduce_min3A_137 : f32 to vector<16xf32>
      %eq3A_139 = arith.cmpf oeq, %gather3A_110, %eq3A_138 : vector<16xf32>
      %select_n3A_140 = arith.select %eq3A_139, %gather3A_117, %gather3A : vector<16xi1>, vector<16xf32>
      %reduce_max3A_141 = arith.constant true
      %reduce_max3A_142 = vector.broadcast %reduce_max3A_141 : i1 to vector<16xi1>
      %reduce_max3A_143 = tpu.scan <max>, %select_n3A_140 masked %reduce_max3A_142 : vector<16xf32>, vector<16xi1> -> vector<16xf32>
      %reduce_max3A_144 = vector.extract %reduce_max3A_143[15] : f32 from vector<16xf32>
      %eq3A_145 = vector.broadcast %reduce_max3A_144 : f32 to vector<16xf32>
      %eq3A_146 = arith.cmpf oeq, %gather3A, %eq3A_145 : vector<16xf32>
      %ne3A_147 = vector.broadcast %reduce_min3A_137 : f32 to vector<16xf32>
      %ne3A_148 = arith.cmpf one, %gather3A_110, %ne3A_147 : vector<16xf32>
      %and3A_149 = arith.andi %eq3A_146, %ne3A_148 : vector<16xi1>
      %eq3A_150 = vector.broadcast %reduce_max3A_144 : f32 to vector<16xf32>
      %eq3A_151 = arith.cmpf oeq, %gather3A_117, %eq3A_150 : vector<16xf32>
      %jit3A_152 = arith.constant 3.000000e+09 : f32
      %broadcast_in_dim3A_153 = vector.broadcast %jit3A_152 : f32 to vector<16xf32>
      %select_n3A_154 = arith.select %eq3A_151, %gather3A_124, %broadcast_in_dim3A_153 : vector<16xi1>, vector<16xf32>
      %select_n3A_155 = arith.select %and3A_149, %gather3A_110, %select_n3A_154 : vector<16xi1>, vector<16xf32>
      %reduce_min3A_156 = arith.constant true
      %reduce_min3A_157 = vector.broadcast %reduce_min3A_156 : i1 to vector<16xi1>
      %reduce_min3A_158 = tpu.scan <min>, %select_n3A_155 masked %reduce_min3A_157 : vector<16xf32>, vector<16xi1> -> vector<16xf32>
      %reduce_min3A_159 = vector.extract %reduce_min3A_158[15] : f32 from vector<16xf32>
      %broadcast_in_dim3A_160 = arith.constant 0 : i32
      %broadcast_in_dim3A_161 = vector.broadcast %broadcast_in_dim3A_160 : i32 to vector<16xi32>
      %convert_element_type3A_162 = arith.fptosi %reduce_min3A_137 : f32 to i32
      %add3A_163 = vector.broadcast %convert_element_type3A_162 : i32 to vector<16xi32>
      %add3A_164 = arith.addi %broadcast_in_dim3A_161, %add3A_163 : vector<16xi32>
      %broadcast_in_dim3A_165 = arith.constant 0 : i32
      %broadcast_in_dim3A_166 = vector.broadcast %broadcast_in_dim3A_165 : i32 to vector<16xi32>
      %convert_element_type3A_167 = arith.fptosi %reduce_min3A_159 : f32 to i32
      %add3A_168 = vector.broadcast %convert_element_type3A_167 : i32 to vector<16xi32>
      %add3A_169 = arith.addi %broadcast_in_dim3A_166, %add3A_168 : vector<16xi32>
      %gather3A_170 = tpu.vector_load_idx %arg8[%add3A_164] : memref<20480xf32, #tpu.memory_space<vmem>>[vector<16xi32>], vector<16xf32>,
      %gather3A_171 = tpu.vector_load_idx %arg9[%add3A_164] : memref<20480xf32, #tpu.memory_space<vmem>>[vector<16xi32>], vector<16xf32>,
      %gather3A_172 = tpu.vector_load_idx %arg10[%add3A_164] : memref<20480xf32, #tpu.memory_space<vmem>>[vector<16xi32>], vector<16xf32>,
      %gather3A_173 = tpu.vector_load_idx %arg11[%add3A_164] : memref<20480xf32, #tpu.memory_space<vmem>>[vector<16xi32>], vector<16xf32>,
      %gather3A_174 = tpu.vector_load_idx %arg12[%add3A_164] : memref<20480xf32, #tpu.memory_space<vmem>>[vector<16xi32>], vector<16xf32>,
      %gather3A_175 = tpu.vector_load_idx %arg8[%add3A_169] : memref<20480xf32, #tpu.memory_space<vmem>>[vector<16xi32>], vector<16xf32>,
      %gather3A_176 = tpu.vector_load_idx %arg9[%add3A_169] : memref<20480xf32, #tpu.memory_space<vmem>>[vector<16xi32>], vector<16xf32>,
      %gather3A_177 = tpu.vector_load_idx %arg10[%add3A_169] : memref<20480xf32, #tpu.memory_space<vmem>>[vector<16xi32>], vector<16xf32>,
      %gather3A_178 = tpu.vector_load_idx %arg11[%add3A_169] : memref<20480xf32, #tpu.memory_space<vmem>>[vector<16xi32>], vector<16xf32>,
      %gather3A_179 = tpu.vector_load_idx %arg12[%add3A_169] : memref<20480xf32, #tpu.memory_space<vmem>>[vector<16xi32>], vector<16xf32>,
      %min3A = arith.minimumf %gather3A_172, %gather3A_177 : vector<16xf32>
      %max3A = arith.maximumf %gather3A_170, %gather3A_175 : vector<16xf32>
      %sub3A = arith.subf %min3A, %max3A : vector<16xf32>
      %max3A_180 = arith.constant 0.000000e+00 : f32
      %max3A_181 = vector.broadcast %max3A_180 : f32 to vector<16xf32>
      %max3A_182 = arith.maximumf %sub3A, %max3A_181 : vector<16xf32>
      %min3A_183 = arith.minimumf %gather3A_173, %gather3A_178 : vector<16xf32>
      %max3A_184 = arith.maximumf %gather3A_171, %gather3A_176 : vector<16xf32>
      %sub3A_185 = arith.subf %min3A_183, %max3A_184 : vector<16xf32>
      %max3A_186 = arith.constant 0.000000e+00 : f32
      %max3A_187 = vector.broadcast %max3A_186 : f32 to vector<16xf32>
      %max3A_188 = arith.maximumf %sub3A_185, %max3A_187 : vector<16xf32>
      %mul3A_189 = arith.mulf %max3A_182, %max3A_188 : vector<16xf32>
      %add3A_190 = arith.addf %gather3A_174, %gather3A_179 : vector<16xf32>
      %sub3A_191 = arith.subf %add3A_190, %mul3A_189 : vector<16xf32>
      %add3A_192 = arith.constant 9.99999971E-10 : f32
      %add3A_193 = vector.broadcast %add3A_192 : f32 to vector<16xf32>
      %add3A_194 = arith.addf %sub3A_191, %add3A_193 : vector<16xf32>
      %div3A = arith.divf %mul3A_189, %add3A_194 : vector<16xf32>
      %le3A = arith.constant 0.699999988 : f32
      %le3A_195 = vector.broadcast %le3A : f32 to vector<16xf32>
      %le3A_196 = arith.cmpf ole, %div3A, %le3A_195 : vector<16xf32>
      %gt3A = arith.constant -5.000000e-01 : f32
      %gt3A_197 = arith.cmpf ogt, %reduce_max3A_144, %gt3A : f32
      %and3A_198 = vector.broadcast %gt3A_197 : i1 to vector<16xi1>
      %and3A_199 = arith.andi %le3A_196, %and3A_198 : vector<16xi1>
      %add3A_200 = arith.constant 1 : i32
      %add3A_201 = arith.addi %while3A_10, %add3A_200 : i32
      %lt3A = arith.constant 1000 : i32
      %lt3A_202 = arith.cmpi slt, %add3A_201, %lt3A : i32
      %and3A_203 = vector.broadcast %lt3A_202 : i1 to vector<16xi1>
      %and3A_204 = arith.andi %and3A_199, %and3A_203 : vector<16xi1>
      %convert_element_type3A_205 = arith.extui %and3A_204 : vector<16xi1> to vector<16xi32>
      %reduce_max3A_206 = arith.constant true
      %reduce_max3A_207 = vector.broadcast %reduce_max3A_206 : i1 to vector<16xi1>
      %reduce_max3A_208 = arith.constant -2147483648 : i32
      %reduce_max3A_209 = vector.broadcast %reduce_max3A_208 : i32 to vector<16xi32>
      %reduce_max3A_210 = arith.xori %convert_element_type3A_205, %reduce_max3A_209 : vector<16xi32>
      %reduce_max3A_211 = tpu.scan <max>, %reduce_max3A_210 masked %reduce_max3A_207 : vector<16xi32>, vector<16xi1> -> vector<16xi32>
      %reduce_max3A_212 = arith.xori %reduce_max3A_211, %reduce_max3A_209 : vector<16xi32>
      %reduce_max3A_213 = vector.extract %reduce_max3A_212[15] : i32 from vector<16xi32>
      %eq3A_214 = arith.constant 0 : i32
      %eq3A_215 = vector.broadcast %eq3A_214 : i32 to vector<16xi32>
      %eq3A_216 = arith.cmpi eq, %iota3A, %eq3A_215 : vector<16xi32>
      %eq3A_217 = arith.constant 1 : i32
      %eq3A_218 = vector.broadcast %eq3A_217 : i32 to vector<16xi32>
      %eq3A_219 = arith.cmpi eq, %iota3A, %eq3A_218 : vector<16xi32>
      %eq3A_220 = arith.constant 2 : i32
      %eq3A_221 = vector.broadcast %eq3A_220 : i32 to vector<16xi32>
      %eq3A_222 = arith.cmpi eq, %iota3A, %eq3A_221 : vector<16xi32>
      %eq3A_223 = arith.constant 3 : i32
      %eq3A_224 = vector.broadcast %eq3A_223 : i32 to vector<16xi32>
      %eq3A_225 = arith.cmpi eq, %iota3A, %eq3A_224 : vector<16xi32>
      %broadcast_in_dim3A_226 = vector.broadcast %reduce_max3A_128 : f32 to vector<16xf32>
      %select_n3A_227 = arith.select %eq3A_225, %gather3A_173, %broadcast_in_dim3A_226 : vector<16xi1>, vector<16xf32>
      %select_n3A_228 = arith.select %eq3A_222, %gather3A_172, %select_n3A_227 : vector<16xi1>, vector<16xf32>
      %select_n3A_229 = arith.select %eq3A_219, %gather3A_171, %select_n3A_228 : vector<16xi1>, vector<16xf32>
      %select_n3A_230 = arith.select %eq3A_216, %gather3A_170, %select_n3A_229 : vector<16xi1>, vector<16xf32>
      %mul3A_231 = arith.constant 5 : i32
      %mul3A_232 = arith.muli %while3A_10, %mul3A_231 : i32
      %add3A_233 = vector.broadcast %mul3A_232 : i32 to vector<16xi32>
      %add3A_234 = arith.addi %add3A_233, %iota3A : vector<16xi32>
      %lt3A_235 = arith.constant 5 : i32
      %lt3A_236 = vector.broadcast %lt3A_235 : i32 to vector<16xi32>
      %lt3A_237 = arith.cmpi slt, %iota3A, %lt3A_236 : vector<16xi32>
      tpu.vector_store_idx %arg14[%add3A_234], %select_n3A_230 masked %lt3A_237 : memref<5056xf32, #tpu.memory_space<vmem>>[vector<16xi32>], vector<16xf32>, vector<16xi1>
      %eq3A_238 = arith.constant 0 : i32
      %eq3A_239 = vector.broadcast %eq3A_238 : i32 to vector<16xi32>
      %eq3A_240 = arith.cmpi eq, %iota3A, %eq3A_239 : vector<16xi32>
      %eq3A_241 = arith.constant 1 : i32
      %eq3A_242 = vector.broadcast %eq3A_241 : i32 to vector<16xi32>
      %eq3A_243 = arith.cmpi eq, %iota3A, %eq3A_242 : vector<16xi32>
      %eq3A_244 = arith.constant 2 : i32
      %eq3A_245 = vector.broadcast %eq3A_244 : i32 to vector<16xi32>
      %eq3A_246 = arith.cmpi eq, %iota3A, %eq3A_245 : vector<16xi32>
      %eq3A_247 = arith.constant 3 : i32
      %eq3A_248 = vector.broadcast %eq3A_247 : i32 to vector<16xi32>
      %eq3A_249 = arith.cmpi eq, %iota3A, %eq3A_248 : vector<16xi32>
      %broadcast_in_dim3A_250 = vector.broadcast %reduce_max3A_144 : f32 to vector<16xf32>
      %select_n3A_251 = arith.select %eq3A_249, %gather3A_178, %broadcast_in_dim3A_250 : vector<16xi1>, vector<16xf32>
      %select_n3A_252 = arith.select %eq3A_246, %gather3A_177, %select_n3A_251 : vector<16xi1>, vector<16xf32>
      %select_n3A_253 = arith.select %eq3A_243, %gather3A_176, %select_n3A_252 : vector<16xi1>, vector<16xf32>
      %select_n3A_254 = arith.select %eq3A_240, %gather3A_175, %select_n3A_253 : vector<16xi1>, vector<16xf32>
      %add3A_255 = arith.constant 1 : i32
      %add3A_256 = arith.addi %while3A_10, %add3A_255 : i32
      %mul3A_257 = arith.constant 5 : i32
      %mul3A_258 = arith.muli %add3A_256, %mul3A_257 : i32
      %add3A_259 = vector.broadcast %mul3A_258 : i32 to vector<16xi32>
      %add3A_260 = arith.addi %add3A_259, %iota3A : vector<16xi32>
      %lt3A_261 = arith.constant 5 : i32
      %lt3A_262 = vector.broadcast %lt3A_261 : i32 to vector<16xi32>
      %lt3A_263 = arith.cmpi slt, %iota3A, %lt3A_262 : vector<16xi32>
      %and3A_264 = arith.andi %lt3A_263, %and3A_204 : vector<16xi1>
      tpu.vector_store_idx %arg14[%add3A_260], %select_n3A_254 masked %and3A_264 : memref<5056xf32, #tpu.memory_space<vmem>>[vector<16xi32>], vector<16xf32>, vector<16xi1>
      %jit3A_265 = arith.constant 0.000000e+00 : f32
      %broadcast_in_dim3A_266 = vector.broadcast %jit3A_265 : f32 to vector<16xf32>
      %select_n3A_267 = arith.select %and3A_204, %gather3A_175, %broadcast_in_dim3A_266 : vector<16xi1>, vector<16xf32>
      %jit3A_268 = arith.constant 0.000000e+00 : f32
      %broadcast_in_dim3A_269 = vector.broadcast %jit3A_268 : f32 to vector<16xf32>
      %select_n3A_270 = arith.select %and3A_204, %gather3A_176, %broadcast_in_dim3A_269 : vector<16xi1>, vector<16xf32>
      %jit3A_271 = arith.constant 0.000000e+00 : f32
      %broadcast_in_dim3A_272 = vector.broadcast %jit3A_271 : f32 to vector<16xf32>
      %select_n3A_273 = arith.select %and3A_204, %gather3A_177, %broadcast_in_dim3A_272 : vector<16xi1>, vector<16xf32>
      %jit3A_274 = arith.constant 0.000000e+00 : f32
      %broadcast_in_dim3A_275 = vector.broadcast %jit3A_274 : f32 to vector<16xf32>
      %select_n3A_276 = arith.select %and3A_204, %gather3A_178, %broadcast_in_dim3A_275 : vector<16xi1>, vector<16xf32>
      %jit3A_277 = arith.constant 0.000000e+00 : f32
      %broadcast_in_dim3A_278 = vector.broadcast %jit3A_277 : f32 to vector<16xf32>
      %select_n3A_279 = arith.select %and3A_204, %gather3A_179, %broadcast_in_dim3A_278 : vector<16xi1>, vector<16xf32>
      %add3A_280 = arith.constant 1 : i32
      %add3A_281 = arith.addi %while3A_10, %add3A_280 : i32
      %add3A_282 = arith.addi %add3A_281, %reduce_max3A_213 : i32
      %sub3A_283 = arith.constant 1 : i32
      %sub3A_284 = arith.subi %sub3A_283, %while3A_11 : i32
      scf.yield %add3A_282, %sub3A_284, %gather3A_170, %gather3A_171, %gather3A_172, %gather3A_173, %gather3A_174, %select_n3A_267, %select_n3A_270, %select_n3A_273, %select_n3A_276, %select_n3A_279 : i32, i32, vector<16xf32>, vector<16xf32>, vector<16xf32>, vector<16xf32>, vector<16xf32>, vector<16xf32>, vector<16xf32>, vector<16xf32>, vector<16xf32>, vector<16xf32>
    }
    %eq3A = arith.constant 0 : i32
    %eq3A_6 = arith.cmpi eq, %arg0, %eq3A : i32
    %eq3A_7 = arith.constant 0 : i32
    %eq3A_8 = arith.cmpi eq, %arg1, %eq3A_7 : i32
    %and3A = arith.andi %eq3A_6, %eq3A_8 : i1
    %convert_element_type3A = arith.extui %and3A : i1 to i32
    %cond3A = arith.constant 0 : i32
    %cond3A_9 = arith.cmpi ne, %convert_element_type3A, %cond3A : i32
    scf.if %cond3A_9 {
      "tpu.region"() ({
        %run_scoped3A = tpu.sem_alloc : memref<!tpu.dma_semaphore, #tpu.memory_space<semaphore_mem>>
        tpu.enqueue_dma source(%arg14 : memref<5056xf32, #tpu.memory_space<vmem>>) target(%arg7 : memref<5056xf32, #tpu.memory_space<hbm>>) target_semaphore(%run_scoped3A : memref<!tpu.dma_semaphore, #tpu.memory_space<semaphore_mem>>)
        tpu.wait_dma2 semaphore(%run_scoped3A : memref<!tpu.dma_semaphore, #tpu.memory_space<semaphore_mem>>) src(%arg14 : memref<5056xf32, #tpu.memory_space<vmem>>) dst(%arg7 : memref<5056xf32, #tpu.memory_space<hbm>>)
        tpu.yield
      }) : () -> ()
    } else {
    }
    return
  }
}

</mosaic_0001>

<sc_bundles>
// kernel: kernel.3.cloned.1.call-start
scs
__scs_entry_jumppad:
0x0: {  	(pc) =	sbr.rel $0x88, $3  }
0x1: {  	(tag) =	ssettag $0x0;
	lr =	simm.s32 $0x1  }
0x2: {  	[smem:$0x3F9F] =	sst lr;
	_ =	strace $0xD0000000  }
0x3: {  	_ = 	snop  }
0x4: {  	_ = 	snop  }
0x5: {  	_ = 	snop  }
0x6: {  	_ = 	snop  }
0x7: {  	_ = 	snop  }
__scs_overlays_trampoline_lowered:
0x8: {  	[smem:$0x3FAE] =	sst s0  }
0x9: {  	[smem:$0x3FAF] =	sst s1  }
0xa: {  	[smem:$0x3FB0] =	sst s2  }
0xb: {  	[smem:$0x3FB1] =	sst s3  }
0xc: {  	[smem:$0x3FB2] =	sst s4  }
0xd: {  	[smem:$0x3FB3] =	sst s5  }
0xe: {  	[smem:$0x3FB4] =	sst s6  }
0xf: {  	[smem:$0x3FB5] =	sst s7  }
0x10: {  	[smem:$0x3FB6] =	sst s8  }
0x11: {  	[smem:$0x3FB7] =	sst s9;
	s0 =	simm.s32 @!p0 $0x0  }
0x12: {  	s1 =	sld [smem:$0x3F9D];
	s0 =	simm.s32 @p0 $0x1  }
0x13: {  	[smem:$0x3FB8] =	sst s0;
	s0 =	simm.s32 @!p1 $0x0  }
0x14: {  	s2 =	sld [smem:$0x3F9C];
	s0 =	simm.s32 @p1 $0x1  }
0x15: {  	[smem:$0x3FB9] =	sst s0;
	s0 =	simm.s32 @!p2 $0x0  }
0x16: {  	s3 =	sld [smem:$0x3FDB];
	s0 =	simm.s32 @p2 $0x1  }
0x17: {  	s4 =	simm.s32 $0x1BF5;
	[smem:$0x3FBB] =	sst s0  }
0x18: {  	s0 =	sld [smem:$0x3F9E];
	_ =	swait.ge [sflag:s4], $0x0  }
0x19: {  	s7 =	sld [smem:$0x3F9F]  }
0x1a: {  	s8 =	sadd.s32 $0xFFFFE003, lr  }
0x1b: {  	s9 =	sadd.s32 $0xFFFFFEF7, lr;
	s5 =	simm.s32 $0xFFFFFFFF;
	p2 =	slt.u32 s8, $0xFFFFF086  }
0x1c: {  	p1 =	slt.u32 s9, $0xF7A;
	s5 =	simm.s32 @!p2 $0x0  }
0x1d: {  	s5 =	simm.s32 @p1 $0x1;
	p0 =	seq.s32 s7, s2  }
0x1e: {  	s7 =	smul.u32 @!p0 $0xF7A, s2;
	p2 =	seq.s32 @!p0 s5, $0x0  }
0x1f: {  	s9 =	smul.u32 $0xF7A, s1;
	s8 =	simm.s32 @!p0 $0x1BF5;
	p2 =	por !p2, p0  }
0x20: {  	[sflag:s8] =	ssyncset.s32 @!p0 $0xFFFFF086;
	s6 =	sadd.s32 @!p0 s3, s7;
	s7 =	simm.s32 @!p0 $0x108  }
0x21: {  	s3 =	sadd.s32 s3, s9;
	s6 =	sadd.s32 @!p0 $0x88, s6;
	s7 =	simm.s32 @p2 $0x1082  }
0x22: {  	[simem:s7], [sflag:s8] =	dma.local @!p0 [hbm:s6], $0xF7A  }
0x23: {  	s9 =	sor.u32 $0xD0000000, s2;
	s6 =	simm.s32 $0x108;
	_ =	swait.ge @!p0 [sflag:s8], $0x0  }
0x24: {  	s3 =	sadd.s32 $0x88, s3;
	s6 =	simm.s32 @!p1 $0x1082;
	[sflag:s4] =	ssyncset.s32 $0xFFFFF086  }
0x25: {  	[simem:s6], [sflag:s4] =	dma.local [hbm:s3], $0xF7A  }
0x26: {  	[smem:$0x3F9F] =	sst s1;
	(tag) =	ssettag s2;
	_ =	strace s9  }
0x27: {  	s1 =	sld [smem:$0x3FAF]  }
0x28: {  	s2 =	sld [smem:$0x3FB0]  }
0x29: {  	s4 =	sld [smem:$0x3FB2]  }
0x2a: {  	p0 =	seq.s32 s5, $0x0;
	s5 =	sld [smem:$0x3FB3]  }
0x2b: {  	s6 =	sld [smem:$0x3FB4]  }
0x2c: {  	s7 =	sld [smem:$0x3FB5]  }
0x2d: {  	s3 =	simm.s32 $0x108;
	s8 =	sld [smem:$0x3FB6]  }
0x2e: {  	s3 =	simm.s32 @!p0 $0x1082;
	s9 =	sld [smem:$0x3FB7]  }
0x2f: {  	lr =	sadd.s32 s0, s3;
	s0 =	sld [smem:$0x3FAE]  }
0x30: {  	s3 =	sld [smem:$0x3FB1]  }
0x31: {  	[smem:$0x3FBA] =	sst s10  }
0x32: {  	s10 =	sld [smem:$0x3FB8];
	_ =	sdelay $0x3  }
0x33: {  	p0 =	seq.s32 s10, $0x1;
	s10 =	sld [smem:$0x3FBA];
	_ =	sdelay $0x3  }
0x34: {  	[smem:$0x3FBA] =	sst s10  }
0x35: {  	s10 =	sld [smem:$0x3FB9];
	_ =	sdelay $0x3  }
0x36: {  	p1 =	seq.s32 s10, $0x1;
	s10 =	sld [smem:$0x3FBA];
	_ =	sdelay $0x3  }
0x37: {  	[smem:$0x3FBA] =	sst s10  }
0x38: {  	s10 =	sld [smem:$0x3FBB]  }
0x39: {  	_ = 	snop;
	(pc) =	sbr.ind lr, $3  }
0x3a: {  	_ = 	snop  }
0x3b: {  	_ = 	snop  }
0x3c: {  	p2 =	seq.s32 s10, $0x1;
	s10 =	sld [smem:$0x3FBA]  }
0x3d: {  	_ =	shalt  }
0x3e: {  	_ =	shalt  }
0x3f: {  	_ =	shalt  }
0x40: {  	_ =	shalt  }
0x41: {  	_ =	shalt  }
0x42: {  	_ =	shalt  }
0x43: {  	_ =	shalt  }
0x44: {  	_ =	shalt  }
0x45: {  	_ =	shalt  }
0x46: {  	_ =	shalt  }
0x47: {  	_ =	shalt  }
0x48: {  	_ =	shalt  }
0x49: {  	_ =	shalt  }
0x4a: {  	_ =	shalt  }
0x4b: {  	_ =	shalt  }
0x4c: {  	_ =	shalt  }
0x4d: {  	_ =	shalt  }
0x4e: {  	_ =	shalt  }
0x4f: {  	_ =	shalt  }
0x50: {  	_ =	shalt  }
0x51: {  	_ =	shalt  }
0x52: {  	_ =	shalt  }
0x53: {  	_ =	shalt  }
0x54: {  	_ =	shalt  }
0x55: {  	_ =	shalt  }
0x56: {  	_ =	shalt  }
0x57: {  	_ =	shalt  }
0x58: {  	_ =	shalt  }
0x59: {  	_ =	shalt  }
0x5a: {  	_ =	shalt  }
0x5b: {  	_ =	shalt  }
0x5c: {  	_ =	shalt  }
0x5d: {  	_ =	shalt  }
0x5e: {  	_ =	shalt  }
0x5f: {  	_ =	shalt  }
0x60: {  	_ =	shalt  }
0x61: {  	_ =	shalt  }
0x62: {  	_ =	shalt  }
0x63: {  	_ =	shalt  }
0x64: {  	_ =	shalt  }
0x65: {  	_ =	shalt  }
0x66: {  	_ =	shalt  }
0x67: {  	_ =	shalt  }
0x68: {  	_ =	shalt  }
0x69: {  	_ =	shalt  }
0x6a: {  	_ =	shalt  }
0x6b: {  	_ =	shalt  }
0x6c: {  	_ =	shalt  }
0x6d: {  	_ =	shalt  }
0x6e: {  	_ =	shalt  }
0x6f: {  	_ =	shalt  }
0x70: {  	_ =	shalt  }
0x71: {  	_ =	shalt  }
0x72: {  	_ =	shalt  }
0x73: {  	_ =	shalt  }
0x74: {  	_ =	shalt  }
0x75: {  	_ =	shalt  }
0x76: {  	_ =	shalt  }
0x77: {  	_ =	shalt  }
0x78: {  	_ =	shalt  }
0x79: {  	_ =	shalt  }
0x7a: {  	_ =	shalt  }
0x7b: {  	_ =	shalt  }
0x7c: {  	_ =	shalt  }
0x7d: {  	_ =	shalt  }
0x7e: {  	_ =	shalt  }
0x7f: {  	_ =	shalt  }
0x80: {  	_ =	shalt  }
0x81: {  	_ =	shalt  }
0x82: {  	_ =	shalt  }
0x83: {  	_ =	shalt  }
0x84: {  	_ =	shalt  }
0x85: {  	_ =	shalt  }
0x86: {  	_ =	shalt  }
0x87: {  	_ =	shalt  }
.Lfunc_end0:
.L_simem_size_0:
called_computation_lowered:
.L_overlay_start_0:
0x88: {  	s2 =	sld [smem:$0x3FD9]  }
0x89: {  	s3 =	sld [smem:$0x3FFE];
	_ =	sdelay $0x1  }
0x8a: {  	s1 =	srdreg.scid  }
0x8b: {  	s0 =	sand.u32 $0x1, s1  }
0x8c: {  	s17 =	sshll.u32 s0, $0xA;
	s2 =	sadd.s32 s3, s2  }
0x8d: {  	s2 =	sadd.s32 s2, s17  }
0x8e: {  	[smem:$0x3FC6] =	sst s2  }
0x8f: {  	_ = 	snop  }
0x90: {  	s2 =	sld [smem:$0x3FD0];
	(tm) =	ssettm $0x1  }
0x91: {  	s18 =	sld [smem:$0x3FFB];
	_ =	sdelay $0x3  }
0x92: {  	_ =	strace s18  }
0x93: {  	s3 =	sld [smem:$0x3FFC];
	_ =	sdelay $0x3  }
0x94: {  	_ =	strace s3  }
0x95: {  	s3 =	sld [smem:$0x3FFD];
	_ =	sdelay $0x3  }
0x96: {  	_ =	strace s3  }
0x97: {  	_ =	strace $0x8FFFFFFF  }
0x98: {  	s19 =	sld [smem:$0x3FDB];
	_ =	sdelay $0x1  }
0x99: {  	s4 =	simm.s32 $_scs_section_size  }
0x9a: {  	s5 =	simm.s32 $_size__tile_overlayer_lowered;
	s6 =	simm.s32 $_tile_overlayer_lowered  }
0x9b: {  	s22 =	simm.s32 $0x1BFF;
	s21 =	sshll.u32 s6, $0x1;
	s3 =	sadd.s32 s4, s19  }
0x9c: {  	s7 =	simm.s32 $0x0;
	s20 =	sshll.u32 s5, $0x1;
	s5 =	sadd.s32 s21, s3  }
0x9d: {  	[timem:s7], [sflag:s22] =	dma.local [hbm:s5], s20  }
0x9e: {  	_ =	swait.ge [sflag:s22], s20  }
0x9f: {  	s4 =	ssub.s32 $0x0, s20;
	[sflag:s22] =	ssyncset.done $0x0  }
0xa0: {  	[sflag:s22] =	ssyncadd.s32 s4;
	_ =	sdelay $0x1  }
0xa1: {  	s23 =	simm.s32 $0x1B8B  }
0xa2: {  	_ =	swait.ge [sflag:s23], $0x1  }
0xa3: {  	[sflag:s23] =	ssyncset.done $0x0  }
0xa4: {  	s25 =	simm.s32 $0x1B8E;
	s24 =	sld [smem:$0x3FFE];
	[sflag:s23] =	ssyncadd.s32 $0xFFFFFFFF  }
0xa5: {  	s26 =	simm.s32 $execute0_lowered;
	[smem:$0x3FD2] =	sst s25  }
0xa6: {  	s5 =	sshll.u32 s26, $0x1;
	_ =	strace $0x80000046;
	[dreg:$0x1] =	wrdreg $0xFFFFFFFF  }
0xa7: {  	s28 =	simm.s32 $_size_execute0_lowered;
	s3 =	sadd.s32 s3, s5;
	[dreg:$0x0] =	wrdreg $0x0  }
0xa8: {  	s5 =	sshll.u32 s28, $0x1;
	[dreg:$0x2] =	wrdreg s3  }
0xa9: {  	[dreg:$0x3] =	wrdreg s5  }
0xaa: {  	[dreg:$0x4] =	wrdreg $0xC0  }
0xab: {  	_ =	task [dreg:s7], $0x5FFFF  }
0xac: {  	[dreg:$0x1] =	wrdreg $0xFFFFFFFF  }
0xad: {  	[dreg:$0x0] =	wrdreg $0x60  }
0xae: {  	[dreg:$0x2] =	wrdreg s24  }
0xaf: {  	[dreg:$0x3] =	wrdreg s2  }
0xb0: {  	[dreg:$0x4] =	wrdreg $0x1AA800  }
0xb1: {  	[dreg:$0x5] =	wrdreg $0x9  }
0xb2: {  	_ =	task.clear_ibuf [dreg:s7], $0x6FFFF;
	_ =	strace $0x90000046  }
0xb3: {  	s29 =	simm.s32 $0x9;
	_ =	strace $0x80000048  }
0xb4: {  	_ =	swait.ge [sflag:s29], $0x1  }
0xb5: {  	[sflag:s29] =	ssyncadd.s32 $0xFFFFFFFF  }
0xb6: {  	_ =	strace $0x90000048  }
0xb7: {  	_ =	sfence  }
0xb8: {  	s30 =	sld [smem:$0x0];
	_ =	sdelay $0x2  }
0xb9: {  	s31 =	sshll.u32 s1, $0xD;
	s1 =	sshrl.u32 s1, $0x2  }
0xba: {  	s3 =	sand.u32 $0x4000, s31;
	s1 =	sadd.s32 s1, s30  }
0xbb: {  	s0 =	sor.u32 s3, s0;
	s1 =	sshll.u32 s1, $0x11  }
0xbc: {  	s0 =	sor.u32 s1, s0  }
0xbd: {  	s0 =	sadd.s32 $0x8F2B, s0  }
0xbe: {  	[sflag:s0] =	ssyncadd.remote.s32 $0x1  }
0xbf: {  	_ =	sfence.sel $0xFFFF  }
0xc0: {  	[dreg:$0x0] =	wrdreg $0xFFFFFFFF;
	(pc) =	sbr.abs _section_cstart, $3  }
0xc1: {  	[dreg:$0x1] =	wrdreg $0xFFFFFFFF  }
0xc2: {  	_ =	task.clear_ibuf [dreg:s7], $0x2FFFF;
	_ =	strace $0x9FFFFFFF  }
0xc3: {  	(tm) =	ssettm $0x7FFFFFFF  }
tec
execute0_lowered:
.L_overlay_start_1:
0x0: {  	(tag) =	ssettag $0x1  }
0x1: {  	s1 =	rddreg [dreg:$0x0]  }
0x2: {  	s4 =	rddreg [dreg:$0x2]  }
0x3: {  	s5 =	simm.s32 $0x0;
	s0 =	stileid.u32;
	s7 =	srdreg.scid  }
0x4: {  	s14 =	simm.s32 $0xA000;
	s15 =	simm.s32 $0xF000;
	s18 =	simm.s32 $0x1A900  }
0x5: {  	s19 =	simm.s32 $0x1A980;
	s20 =	simm.s32 $0x14000;
	s21 =	simm.s32 $0x19500  }
0x6: {  	[smem:$0x7FF] =	sst s5;
	s6 =	smul.u32 $0x500, s0;
	s11 =	sand.u32 $0x1, s7  }
0x7: {  	s7 =	sadd.s32 $0x1E00, s1;
	s8 =	sadd.s32 $0x1400, s1;
	s17 =	sshll.u32 s0, $0x6  }
0x8: {  	v0 =	vlaneseq.u32;
	vm0 =	vcmask $0xF0C;
	_ =	strace $0x80000047;
	s10 =	ssub.s32 $0x2, s11;
	s22 =	sor.u32 s0, s11  }
0x9: {  	vm1 =	vcmask $0xB08;
	vm2 =	vmmov $0x1;
	vm3 =	vmxor vm3, vm3;
	s17 =	sshrl.u32 s17, $0x2;
	s9 =	sshrl.u32 s6, $0x3;
	s13 =	sshrl.u32 s10, $0x1  }
0xa: {  	v5 =	vimm.s32 $0x0;
	vm4 =	vcmask $0x3F10;
	v1 =	vmul.u32 $0x10, v0;
	p0 =	sne.s32 s22, $0x0;
	s22 =	simm.s32 $0x0;
	s12 =	sadd.s32 s9, s1  }
0xb: {  	vm5 =	vcmask $0x3F0C;
	vm6 =	vcmask $0x3F08;
	vm7 =	vmmov $0x1f;
	s9 =	sadd.s32 $0xA00, s1;
	s13 =	ssub.s32 s10, s13;
	s10 =	sadd.s32 $0x2800, s12  }
0xc: {  	v2 =	vor.u32 $0x1, v1;
	v3 =	vor.u32 $0x2, v1;
	v4 =	vor.u32 $0x3, v1;
	s11 =	smax.u32 s13, $0x1;
	s12 =	simm.s32 $0x1;
	s13 =	simm.s32 $0x5000  }
.LBB2_1:
0xd: {  	[tilespmem:s5], [sflag:$0x1] =	stream.linear.gather [hbm4b:s7+s5], $0x5000, $0x38;
	[tilespmem:$0x1AAA0] =	vst v63  }
0xe: {  	_ =	swait.ge [sflag:s12], $0x5000  }
0xf: {  	[sflag:s12] =	ssyncset.done $0x0  }
0x10: {  	[sflag:s12] =	ssyncadd.s32 $0xFFFFB000  }
0x11: {  	[tilespmem:s13], [sflag:$0x1] =	stream.linear.gather [hbm4b:s8+s5], $0x5000, $0x38;
	[tilespmem:$0x1AAA0] =	vst v63  }
0x12: {  	_ =	swait.ge [sflag:s12], $0x5000  }
0x13: {  	[sflag:s12] =	ssyncset.done $0x0  }
0x14: {  	[sflag:s12] =	ssyncadd.s32 $0xFFFFB000  }
0x15: {  	[tilespmem:s14], [sflag:$0x1] =	stream.linear.gather [hbm4b:s9+s5], $0x5000, $0x38;
	[tilespmem:$0x1AAA0] =	vst v63  }
0x16: {  	_ =	swait.ge [sflag:s12], $0x5000  }
0x17: {  	[sflag:s12] =	ssyncset.done $0x0  }
0x18: {  	[sflag:s12] =	ssyncadd.s32 $0xFFFFB000  }
0x19: {  	[tilespmem:s15], [sflag:$0x1] =	stream.linear.gather [hbm4b:s1+s5], $0x5000, $0x38;
	[tilespmem:$0x1AAA0] =	vst v63  }
0x1a: {  	_ =	swait.ge [sflag:s12], $0x5000  }
0x1b: {  	[sflag:s12] =	ssyncset.done $0x0  }
0x1c: {  	s0 =	simm.s32 $0x19000;
	[sflag:s12] =	ssyncadd.s32 $0xFFFFB000  }
0x1d: {  	[tilespmem:s0], [sflag:$0x1] =	stream.linear.gather [hbm4b:s10+s5], $0x500, $0x38;
	[tilespmem:$0x1AAA0] =	vst v63  }
0x1e: {  	_ =	swait.ge [sflag:s12], $0x500  }
0x1f: {  	[sflag:s12] =	ssyncset.done $0x0  }
0x20: {  	s23 =	simm.s32 $0xA020;
	[sflag:s12] =	ssyncadd.s32 $0xFFFFFB00  }
0x21: {  	s24 =	simm.s32 $0x20;
	v6 =	vld [tilespmem:s23+$0x10]  }
0x22: {  	s25 =	simm.s32 $0xF020;
	v8 =	vld [tilespmem:s24+$0x10]  }
0x23: {  	s26 =	simm.s32 $0x5020;
	v9 =	vld [tilespmem:s25+$0x10]  }
0x24: {  	v10 =	vld [tilespmem:s26+$0x10]  }
0x25: {  	v7 =	vld [tilespmem:s24+$0xFFFFFFE0]  }
0x26: {  	v12 =	vld [tilespmem:s25+$0xFFFFFFE0]  }
0x27: {  	v13 =	vld [tilespmem:s26+$0xFFFFFFE0]  }
0x28: {  	v14 =	vld [tilespmem:s23+$0xFFFFFFF0]  }
0x29: {  	v15 =	vld [tilespmem:s24+$0xFFFFFFF0]  }
0x2a: {  	v16 =	vld [tilespmem:s25+$0xFFFFFFF0]  }
0x2b: {  	v17 =	vld [tilespmem:s26+$0xFFFFFFF0]  }
0x2c: {  	v11 =	vld [tilespmem:s24+$0x0];
	v6 =	vsub.f32 v6, v8;
	v8 =	vsub.f32 v9, v10  }
0x2d: {  	v9 =	vld [tilespmem:s23+$0x0]  }
0x2e: {  	v10 =	vld [tilespmem:s25+$0x0];
	v6 =	vmul.f32 v8, v6  }
0x2f: {  	s28 =	simm.s32 $0x14020;
	v8 =	vsub.f32 v12, v13;
	v12 =	vld [tilespmem:s26+$0x0]  }
0x30: {  	s29 =	simm.s32 $0x0;
	s30 =	simm.s32 $0xA060;
	v14 =	vsub.f32 v14, v15;
	v15 =	vsub.f32 v16, v17;
	v13 =	vld [tilespmem:s23+$0xFFFFFFE0];
	[tilespmem:s28+$0x10] =	vst v6;
	v6 =	vimm.f32 $0.0e+00  }
.LBB2_2:
0x31: {  	v16 =	vld [tilespmem:s30+$0x10];
	s24 =	sadd.s32 $0x40, s24  }
0x32: {  	s25 =	sadd.s32 $0x40, s25;
	v17 =	vld [tilespmem:s24+$0x10];
	v14 =	vmul.f32 v15, v14;
	v9 =	vsub.f32 v9, v11  }
0x33: {  	s26 =	sadd.s32 $0x40, s26;
	v11 =	vld [tilespmem:s25+$0x10]  }
0x34: {  	s29 =	sadd.s32 $0x4, s29;
	v15 =	vld [tilespmem:s26+$0x10];
	[tilespmem:s28+$0xFFFFFFF0] =	vst v14;
	v10 =	vsub.f32 v10, v12  }
0x35: {  	p1 =	slt.u32 s29, $0x4FC;
	v12 =	vsub.f32 v13, v7;
	v7 =	vld [tilespmem:s24+$0xFFFFFFE0]  }
0x36: {  	v13 =	vld [tilespmem:s25+$0xFFFFFFE0];
	v9 =	vmul.f32 v10, v9  }
0x37: {  	v10 =	vld [tilespmem:s26+$0xFFFFFFE0];
	v8 =	vmul.f32 v8, v12  }
0x38: {  	v12 =	vld [tilespmem:s30+$0xFFFFFFF0];
	[tilespmem:s28+$0x0] =	vst v9  }
0x39: {  	v9 =	vsub.f32 v16, v17;
	v14 =	vld [tilespmem:s24+$0xFFFFFFF0];
	v11 =	vsub.f32 v11, v15;
	[tilespmem:s28+$0xFFFFFFE0] =	vst v8  }
0x3a: {  	v15 =	vld [tilespmem:s25+$0xFFFFFFF0]  }
0x3b: {  	v16 =	vld [tilespmem:s26+$0xFFFFFFF0];
	v17 =	vmul.f32 v11, v9  }
.Ltmp0:
0x3c: {  	s28 =	sadd.s32 $0x40, s28;
	v8 =	vsub.f32 v13, v10;
	v9 =	vld [tilespmem:s30+$0x0];
	(pc) =	sbr.rel @p1 .LBB2_2-.Ltmp0, $4  }
0x3d: {  	s23 =	simm.s32 $0x0;
	v11 =	vld [tilespmem:s24+$0x0];
	[tilespmem:s28+$0x10] =	vst v17  }
0x3e: {  	v14 =	vsub.f32 v12, v14;
	v10 =	vld [tilespmem:s25+$0x0]  }
0x3f: {  	v12 =	vld [tilespmem:s26+$0x0]  }
0x40: {  	v13 =	vld [tilespmem:s30+$0xFFFFFFE0];
	v15 =	vsub.f32 v15, v16;
	s30 =	sadd.s32 $0x40, s30  }
0x41: {  	_ =	sdelay $0x2  }
0x42: {  	v9 =	vsub.f32 v9, v11;
	v10 =	vsub.f32 v10, v12  }
0x43: {  	v11 =	vmul.f32 v15, v14;
	v7 =	vsub.f32 v13, v7  }
0x44: {  	v14 =	vimm.f32 $0.0e+00;
	v9 =	vmul.f32 v10, v9  }
0x45: {  	v15 =	vimm.f32 $0.0e+00;
	[tilespmem:s28+$0xFFFFFFF0] =	vst v11;
	v12 =	vimm.f32 $0.0e+00;
	v8 =	vmul.f32 v8, v7  }
0x46: {  	v11 =	vimm.f32 $0.0e+00;
	v13 =	vimm.f32 $0.0e+00;
	v10 =	vimm.f32 $0.0e+00;
	[tilespmem:s28+$0x0] =	vst v9  }
0x47: {  	s24 =	simm.s32 $0x0;
	v7 =	vimm.f32 $0.0e+00;
	v9 =	vimm.f32 $0.0e+00;
	[tilespmem:s28+$0xFFFFFFE0] =	vst v8;
	v8 =	vimm.f32 $0.0e+00  }
.LBB2_4:
0x48: {  	s25 =	simm.s32 $0x10;
	s28 =	sadd.s32 $0x10, s6  }
0x49: {  	s26 =	sand.u32 $0xFF80, s28;
	s25 =	sand.u32 $0x70, s25  }
0x4a: {  	s25 =	sor.u32 s25, s26  }
0x4b: {  	v16 =	vld [tilespmem:s25+$0x0]  }
0x4c: {  	s16 =	simm.s32 $0x0;
	s29 =	sadd.s32 $0xFFFFFFF0, s28;
	v18 =	vld [tilespmem:s25+$0x5000]  }
0x4d: {  	s30 =	sand.u32 $0xFF80, s29;
	s26 =	sand.u32 $0x60, s16;
	v19 =	vld [tilespmem:s25+$0xA000]  }
0x4e: {  	v20 =	vld [tilespmem:s25+$0xF000];
	s26 =	sor.u32 s26, s30  }
0x4f: {  	v21 =	vld [tilespmem:s26+$0x0]  }
0x50: {  	v22 =	vld [tilespmem:s26+$0xA000]  }
0x51: {  	v23 =	vld [tilespmem:s26+$0xF000]  }
0x52: {  	v26 =	vld [tilespmem:s26+$0x5000];
	v25 =	vmin.f32 v8, v19;
	v27 =	vmax.f32 v10, v16  }
0x53: {  	v28 =	vmin.f32 v7, v20;
	v29 =	vmax.f32 v9, v18;
	v19 =	vmin.f32 v15, v19  }
0x54: {  	v16 =	vmax.f32 v13, v16;
	v20 =	vmin.f32 v14, v20;
	v25 =	vsub.f32 v25, v27  }
0x55: {  	v17 =	vld [tilespmem:s25+$0x14000];
	v18 =	vmax.f32 v12, v18;
	v27 =	vsub.f32 v28, v29;
	v19 =	vsub.f32 v19, v16  }
0x56: {  	v18 =	vsub.f32 v20, v18;
	v16 =	vmin.f32 v8, v22;
	v20 =	vmax.f32 v10, v21  }
0x57: {  	v28 =	vld [tilespmem:s26+$0x14000];
	v29 =	vmin.f32 v7, v23;
	v30 =	vmax.f32 v9, v26;
	v22 =	vmin.f32 v15, v22  }
0x58: {  	s31 =	simm.s32 $0x30;
	s25 =	sadd.s32 $0x30, s6;
	v21 =	vmax.f32 v13, v21;
	v16 =	vsub.f32 v16, v20;
	v20 =	vmin.f32 v14, v23  }
0x59: {  	s30 =	sand.u32 $0xFF80, s25;
	s26 =	sand.u32 $0x70, s31;
	v23 =	vmax.f32 v12, v26;
	v26 =	vsub.f32 v29, v30;
	v21 =	vsub.f32 v22, v21  }
0x5a: {  	v24 =	vadd.f32 v17, v11;
	s31 =	simm.s32 $0x20;
	s30 =	sor.u32 s26, s30;
	s26 =	sadd.s32 $0xFFFFFFF0, s25;
	v20 =	vsub.f32 v20, v23  }
0x5b: {  	s31 =	sand.u32 $0x60, s31;
	v29 =	vld [tilespmem:s30+$0x0];
	s0 =	sand.u32 $0xFF80, s26;
	v23 =	vmax.f32 v16, $0.0e+00;
	v26 =	vmax.f32 v26, $0.0e+00;
	v21 =	vmax.f32 v21, $0.0e+00  }
0x5c: {  	v16 =	vld [tilespmem:s30+$0x14000];
	s0 =	sor.u32 s31, s0;
	v26 =	vmul.f32 v26, v23;
	v20 =	vmax.f32 v20, $0.0e+00;
	v22 =	vadd.f32 v28, v11  }
0x5d: {  	v25 =	vmax.f32 v25, $0.0e+00;
	v35 =	vld [tilespmem:s0+$0xF000];
	v23 =	vadd.f32 v28, v6;
	v30 =	vmul.f32 v20, v21  }
0x5e: {  	v19 =	vmax.f32 v19, $0.0e+00;
	v36 =	vld [tilespmem:s0+$0x5000];
	v21 =	vmax.f32 v27, $0.0e+00;
	v22 =	vsub.f32 v22, v26  }
0x5f: {  	v18 =	vmax.f32 v18, $0.0e+00;
	v28 =	vld [tilespmem:s30+$0x5000];
	v31 =	vmul.f32 v21, v25;
	v21 =	vsub.f32 v23, v30  }
0x60: {  	v32 =	vmul.f32 v18, v19;
	v18 =	vadd.f32 v17, v6;
	v20 =	vld [tilespmem:s30+$0xA000];
	(erf) = vrcp.f32 v22  }
0x61: {  	v38 =	vimm.s32 $0x0;
	v27 =	vld [tilespmem:s30+$0xF000];
	(erf) = vrcp.f32 v21  }
0x62: {  	v18 =	vsub.f32 v18, v32;
	v25 =	vld [tilespmem:s0+$0x14000];
	v19 =	vsub.f32 v24, v31;
	v24 =	vimm.f32 $-3.000000010e+38  }
0x63: {  	v34 =	vld [tilespmem:s0+$0xA000];
	v17 =	vadd.f32 v16, v11;
	v22 =	vmax.f32 v10, v29;
	v29 =	vmax.f32 v13, v29  }
0x64: {  	v39 =	vmin.f32 v7, v35;
	v40 =	vmax.f32 v9, v36;
	(erf) = vrcp.f32 v19  }
0x65: {  	v33 =	vld [tilespmem:s0+$0x0];
	v21 =	vmin.f32 v8, v20;
	v23 =	vmax.f32 v9, v28;
	(erf) = vrcp.f32 v18  }
0x66: {  	v19 =	vmin.f32 v7, v27;
	v27 =	vmin.f32 v14, v27;
	v37 =	vsub.f32 v21, v22  }
0x67: {  	v21 =	vadd.f32 v25, v6;
	v18 =	vmin.f32 v15, v20;
	v20 =	vsub.f32 v19, v23  }
0x68: {  	v19 =	vmax.f32 v12, v28;
	v23 =	vadd.f32 v25, v11;
	v25 =	vmin.f32 v8, v34  }
0x69: {  	v34 =	vmin.f32 v15, v34;
	v22 =	vsub.f32 v18, v29;
	v18 =	vor.u32 s28, v0;
	s28 =	simm.s32 $0x19010;
	v29 =	vpop (erf)  }
0x6a: {  	v19 =	vsub.f32 v27, v19;
	v27 =	vmax.f32 v10, v33;
	v41 =	vld [tilespmem:s28+$0xFFFFFFF0];
	v26 =	vmul.f32 v29, v26;
	v29 =	vpop (erf)  }
0x6b: {  	v33 =	vmax.f32 v13, v33;
	v29 =	vmul.f32 v29, v30;
	v30 =	vmax.f32 v12, v36  }
0x6c: {  	v60 =	vsub.f32 v39, v40;
	v28 =	vor.u32 s29, v0;
	v33 =	vsub.f32 v34, v33  }
0x6d: {  	v27 =	vsub.f32 v25, v27;
	v25 =	vmin.f32 v14, v35;
	v61 =	vpop (erf);
	v26 =	vmax.f32 v26, v29  }
0x6e: {  	v33 =	vmax.f32 v33, $0.0e+00;
	v29 =	vsub.f32 v25, v30;
	v30 =	vpop (erf);
	vm8 =	vgt.f32 v26, $6.999999880e-01;
	v26 =	vld [tilespmem:s28+$0x0]  }
0x6f: {  	v62 =	vmul.f32 v61, v31;
	v30 =	vmul.f32 v30, v32;
	v63 =	vsel vm8, $0xCE6E6B28, v41  }
0x70: {  	v31 =	vmax.f32 v27, $0.0e+00;
	vm8 =	vlt.s32 v28, v38;
	vm9 =	veq.f32 v63, v24  }
0x71: {  	vm10 =	vgt.f32 v63, v24;
	v27 =	vmax.f32 v62, v30;
	vm8 =	vmand vm8, vm9  }
0x72: {  	v25 =	vmax.f32 v37, $0.0e+00;
	vm15 =	vgt.f32 v27, $6.999999880e-01;
	vm8 =	vmor vm10, vm8  }
0x73: {  	[tilespmem:s28+$0xFFFFFFF0] =	vst v63;
	v26 =	vsel vm15, $0xCE6E6B28, v26;
	v27 =	vsel vm8, v63, v24;
	v28 =	vsel vm8, v28, v38  }
0x74: {  	s30 =	simm.s32 $0x50;
	s29 =	simm.s32 $0x2;
	v32 =	vmax.f32 v60, $0.0e+00;
	[tilespmem:s28+$0x0] =	vst v26;
	v24 =	vsel vm8, v24, v27;
	v30 =	vsel vm8, v38, v28  }
.LBB2_5:
0x75: {  	s31 =	sadd.s32 s30, s6;
	vm8 =	veq.f32 v26, v27;
	vm9 =	veq.f32 v26, v24;
	vm10 =	vlt.s32 v18, v30  }
0x76: {  	s3 =	sand.u32 $0x70, s30;
	vm11 =	vlt.s32 v18, v28;
	vm12 =	vgt.f32 v26, v24;
	s0 =	sand.u32 $0xFF80, s31;
	vm9 =	vmand vm10, vm9  }
0x77: {  	vm10 =	vgt.f32 v26, v27;
	vm8 =	vmand vm11, vm8;
	s0 =	sor.u32 s3, s0;
	vm9 =	vmor vm12, vm9  }
0x78: {  	vm8 =	vmor vm10, vm8;
	v34 =	vld [tilespmem:s0+$0x14000];
	v24 =	vsel vm9, v26, v24;
	v30 =	vsel vm9, v18, v30  }
0x79: {  	v35 =	vld [tilespmem:s0+$0x0];
	v36 =	vsel vm8, v27, v24;
	v30 =	vsel vm8, v28, v30;
	v24 =	vsel vm8, v26, v27  }
0x7a: {  	v29 =	vmax.f32 v29, $0.0e+00;
	v27 =	vmul.f32 v32, v31;
	v28 =	vsel vm8, v18, v28;
	v26 =	vld [tilespmem:s0+$0x5000]  }
0x7b: {  	v20 =	vmax.f32 v20, $0.0e+00;
	v22 =	vmax.f32 v22, $0.0e+00;
	s2 =	sadd.s32 $0xFFFFFFF0, s31;
	v29 =	vmul.f32 v29, v33;
	s3 =	sadd.s32 $0xFFFFFFF0, s30;
	v18 =	vld [tilespmem:s0+$0xA000]  }
0x7c: {  	v19 =	vmax.f32 v19, $0.0e+00;
	s16 =	sand.u32 $0xFF80, s2;
	s3 =	sand.u32 $0x60, s3;
	v32 =	vmul.f32 v20, v25;
	v23 =	vsub.f32 v23, v27;
	v31 =	vld [tilespmem:s0+$0xF000]  }
0x7d: {  	v33 =	vmul.f32 v19, v22;
	v19 =	vadd.f32 v16, v6;
	v20 =	vsub.f32 v21, v29;
	s0 =	sor.u32 s3, s16;
	v16 =	vmovc v34  }
0x7e: {  	v22 =	vsub.f32 v17, v32;
	v21 =	vld [tilespmem:s0+$0x14000];
	(erf) = vrcp.f32 v23  }
0x7f: {  	v19 =	vsub.f32 v19, v33;
	v17 =	vadd.f32 v16, v11;
	v25 =	vld [tilespmem:s0+$0x0];
	(erf) = vrcp.f32 v20  }
0x80: {  	v23 =	vmax.f32 v10, v35;
	v34 =	vld [tilespmem:s0+$0xA000];
	v20 =	vmin.f32 v8, v18;
	(erf) = vrcp.f32 v22  }
0x81: {  	v38 =	vmax.f32 v9, v26;
	v37 =	vld [tilespmem:s0+$0xF000];
	v22 =	vmin.f32 v7, v31;
	(erf) = vrcp.f32 v19  }
0x82: {  	v18 =	vmin.f32 v15, v18;
	v19 =	vmax.f32 v13, v35;
	v31 =	vmin.f32 v14, v31;
	v39 =	vld [tilespmem:s0+$0x5000]  }
0x83: {  	v35 =	vsub.f32 v20, v23;
	v23 =	vmax.f32 v12, v26;
	v20 =	vsub.f32 v22, v38  }
0x84: {  	v22 =	vsub.f32 v18, v19;
	v19 =	vsub.f32 v31, v23;
	v18 =	vor.u32 s25, v0;
	s25 =	smov.u32 s31  }
0x85: {  	v38 =	vor.u32 s26, v0;
	s26 =	smov.u32 s2;
	v23 =	vadd.f32 v21, v11;
	v21 =	vadd.f32 v21, v6  }
0x86: {  	v31 =	vmax.f32 v10, v25;
	v26 =	vmin.f32 v8, v34;
	v40 =	vmin.f32 v7, v37  }
0x87: {  	s28 =	sadd.s32 $0x20, s28;
	v25 =	vmax.f32 v13, v25;
	v34 =	vmin.f32 v15, v34;
	v41 =	vmax.f32 v9, v39;
	v42 =	vpop (erf)  }
0x88: {  	v26 =	vsub.f32 v26, v31;
	v44 =	vmin.f32 v14, v37;
	v37 =	vmax.f32 v12, v39;
	v39 =	vld [tilespmem:s28+$0xFFFFFFF0];
	v43 =	vpop (erf)  }
0x89: {  	v40 =	vsub.f32 v40, v41;
	v27 =	vmul.f32 v42, v27;
	v41 =	vmul.f32 v43, v29;
	v42 =	vpop (erf)  }
0x8a: {  	v34 =	vsub.f32 v34, v25;
	v25 =	vmax.f32 v35, $0.0e+00;
	v29 =	vsub.f32 v44, v37;
	v31 =	vpop (erf)  }
0x8b: {  	v35 =	vmul.f32 v42, v32;
	v27 =	vmax.f32 v27, v41;
	v37 =	vmul.f32 v31, v33  }
0x8c: {  	v32 =	vmax.f32 v40, $0.0e+00;
	v31 =	vmax.f32 v26, $0.0e+00;
	vm8 =	vgt.f32 v27, $6.999999880e-01;
	v26 =	vld [tilespmem:s28+$0x0]  }
0x8d: {  	s29 =	sadd.s32 $0x2, s29;
	v33 =	vmax.f32 v34, $0.0e+00;
	v27 =	vsel vm8, $0xCE6E6B28, v39;
	v34 =	vmax.f32 v35, v37  }
0x8e: {  	p1 =	slt.u32 s29, $0x4E;
	vm9 =	vlt.s32 v38, v28;
	[tilespmem:s28+$0xFFFFFFF0] =	vst v27;
	vm8 =	vgt.f32 v27, v24;
	vm10 =	vgt.f32 v34, $6.999999880e-01  }
.Ltmp1:
0x8f: {  	vm13 =	vlt.s32 v38, v30;
	vm11 =	veq.f32 v27, v24;
	vm12 =	veq.f32 v27, v36;
	(pc) =	sbr.rel @p1 .LBB2_5-.Ltmp1, $4  }
0x90: {  	vm9 =	vmand vm9, vm11;
	vm11 =	vgt.f32 v27, v36;
	vm12 =	vmand vm13, vm12  }
0x91: {  	vm8 =	vmor vm8, vm9;
	vm9 =	vmor vm11, vm12;
	v26 =	vsel vm10, $0xCE6E6B28, v26  }
0x92: {  	v34 =	vsel vm9, v27, v36;
	v30 =	vsel vm9, v38, v30;
	v27 =	vsel vm8, v27, v24;
	[tilespmem:s28+$0x0] =	vst v26  }
0x93: {  	s30 =	sadd.s32 $0x20, s30;
	v24 =	vsel vm8, v24, v34;
	v30 =	vsel vm8, v28, v30;
	v28 =	vsel vm8, v38, v28  }
0x94: {  	v7 =	vmul.f32 v32, v31;
	v8 =	vmax.f32 v29, $0.0e+00  }
0x95: {  	v8 =	vmul.f32 v8, v33  }
0x96: {  	v9 =	vsub.f32 v23, v7  }
0x97: {  	v10 =	vmax.f32 v20, $0.0e+00;
	v11 =	vmax.f32 v22, $0.0e+00;
	v12 =	vsub.f32 v21, v8  }
0x98: {  	v13 =	vmax.f32 v19, $0.0e+00;
	v10 =	vmul.f32 v10, v25;
	(erf) = vrcp.f32 v9  }
0x99: {  	v6 =	vadd.f32 v16, v6;
	v9 =	vmul.f32 v13, v11;
	(erf) = vrcp.f32 v12  }
0x9a: {  	v11 =	vsub.f32 v17, v10  }
0x9b: {  	v6 =	vsub.f32 v6, v9  }
0x9c: {  	(erf) = vrcp.f32 v11  }
0x9d: {  	(erf) = vrcp.f32 v6;
	_ =	sdelay $0x3  }
0x9e: {  	s28 =	sadd.s32 $0x20, s28;
	v6 =	vpop (erf)  }
0x9f: {  	vm8 =	veq.f32 v26, v27;
	v11 =	vld [tilespmem:s28+$0xFFFFFFF0];
	v12 =	vpop (erf)  }
0xa0: {  	vm9 =	vlt.s32 v18, v28;
	v6 =	vmul.f32 v6, v7;
	v7 =	vmul.f32 v12, v8  }
0xa1: {  	vm10 =	vgt.f32 v26, v27;
	vm8 =	vmand vm9, vm8  }
0xa2: {  	vm8 =	vmor vm10, vm8;
	v13 =	vor.u32 s26, v0;
	v12 =	vpop (erf);
	v6 =	vmax.f32 v6, v7  }
0xa3: {  	v8 =	vsel vm8, v26, v27;
	v10 =	vmul.f32 v12, v10;
	v14 =	vpop (erf);
	vm12 =	vgt.f32 v6, $6.999999880e-01;
	v6 =	vld [tilespmem:s28+$0x0]  }
0xa4: {  	v7 =	vsel vm8, v18, v28;
	v9 =	vmul.f32 v14, v9;
	v11 =	vsel vm12, $0xCE6E6B28, v11  }
0xa5: {  	vm13 =	vlt.s32 v13, v7;
	vm14 =	veq.f32 v11, v8  }
0xa6: {  	v9 =	vmax.f32 v10, v9;
	vm11 =	vgt.f32 v11, v8;
	vm9 =	vmand vm13, vm14  }
0xa7: {  	v10 =	vor.u32 s25, v0;
	vm12 =	vgt.f32 v9, $6.999999880e-01;
	vm10 =	vmor vm11, vm9  }
0xa8: {  	v6 =	vsel vm12, $0xCE6E6B28, v6;
	v9 =	vsel vm10, v11, v8;
	v12 =	vsel vm10, v13, v7  }
0xa9: {  	vm9 =	veq.f32 v6, v9;
	vm11 =	vlt.s32 v10, v12  }
0xaa: {  	vm12 =	vgt.f32 v6, v9;
	vm9 =	vmand vm11, vm9  }
0xab: {  	vm9 =	vmor vm12, vm9  }
0xac: {  	v14 =	vsel vm9, v6, v9  }
0xad: {  	(xrf0) =	vmax.scan.msk.f32 $0xffff, v14;
	_ =	sdelay $0x5  }
0xae: {  	v15, _, _ =	vpop (xrf0)  }
0xaf: {  	v15 =	vbroadcast v15, $0xF  }
0xb0: {  	v16 =	vsel vm9, v10, v12  }
0xb1: {  	v17 =	vxor.u32 $0x80000000, v16;
	vm15 =	veq.f32 v14, v15  }
0xb2: {  	v17 =	vnsel vm15, $0xC0000000, v17  }
0xb3: {  	(xrf0) =	vmin.scan.msk.u32 $0xffff, v17;
	_ =	sdelay $0x5  }
0xb4: {  	v17, _, _ =	vpop (xrf0)  }
0xb5: {  	(v2sf) =	vpush v17, $0xF;
	_ =	sdelay $0x2  }
0xb6: {  	vm11 =	veq.f32 v26, v24;
	vm12 =	vlt.s32 v18, v30  }
0xb7: {  	vm13 =	vgt.f32 v26, v24;
	vm11 =	vmand vm12, vm11  }
0xb8: {  	vm11 =	vmor vm13, vm11  }
0xb9: {  	v56 =	vsel vm11, v18, v30;
	v17 =	vsel vm11, v26, v24  }
0xba: {  	v18 =	vsel vm8, v28, v56;
	v17 =	vsel vm8, v27, v17  }
0xbb: {  	vm11 =	vlt.s32 v13, v18;
	vm8 =	veq.f32 v11, v17  }
0xbc: {  	vm12 =	vgt.f32 v11, v17;
	vm8 =	vmand vm11, vm8  }
0xbd: {  	vm8 =	vmor vm12, vm8  }
0xbe: {  	v17 =	vsel vm8, v11, v17;
	v13 =	vsel vm8, v13, v18  }
0xbf: {  	v8 =	vsel vm10, v8, v17;
	v7 =	vsel vm10, v7, v13  }
0xc0: {  	vm8 =	veq.f32 v6, v8;
	vm10 =	vlt.s32 v10, v7  }
0xc1: {  	vm12 =	vgt.f32 v6, v8;
	vm8 =	vmand vm10, vm8  }
0xc2: {  	vm8 =	vmor vm12, vm8;
	s0 =	spop (v2sf)  }
0xc3: {  	v8 =	vsel vm8, v6, v8;
	s0 =	sxor.u32 $0x80000000, s0  }
0xc4: {  	v8 =	vsel vm9, v9, v8;
	vm13 =	veq.s32 v16, s0  }
0xc5: {  	v9 =	vsel vm13, v8, v14  }
0xc6: {  	(xrf0) =	vmax.scan.msk.f32 $0xffff, v9;
	_ =	sdelay $0x5  }
0xc7: {  	v9, _, _ =	vpop (xrf0)  }
0xc8: {  	v7 =	vsel vm8, v10, v7;
	v9 =	vbroadcast v9, $0xF  }
0xc9: {  	v7 =	vsel vm9, v12, v7  }
0xca: {  	vm14 =	vne.s32 v16, s0;
	vm8 =	veq.f32 v14, v9;
	vm15 =	veq.f32 v8, v9  }
0xcb: {  	vm8 =	vmand vm14, vm8;
	v7 =	vnsel vm15, $0x40000000, v7  }
0xcc: {  	v7 =	vsel vm8, v16, v7  }
0xcd: {  	v7 =	vxor.u32 $0x80000000, v7  }
0xce: {  	(xrf0) =	vmin.scan.msk.u32 $0xffff, v7;
	_ =	sdelay $0x5  }
0xcf: {  	v7, _, _ =	vpop (xrf0)  }
0xd0: {  	(v2sf) =	vpush v7, $0xF;
	_ =	sdelay $0xe  }
0xd1: {  	s2 =	spop (v2sf)  }
0xd2: {  	s2 =	sxor.u32 $0x80000000, s2  }
0xd3: {  	s2 =	scvt.s32.f32 s2;
	_ =	sdelay $0x1  }
0xd4: {  	v7 =	vmov s2  }
0xd5: {  	s0 =	scvt.s32.f32 s0;
	v7 =	vnsel vm0, $0x0, v7  }
0xd6: {  	s3 =	sshll.u32 s23, $0x8;
	vm8 =	veq.s32 v0, $0x1;
	v7 =	vsel vm1, v9, v7  }
0xd7: {  	s16 =	sand.u32 $0x3FFFFF00, s3;
	[tilespmem:s28+$0xFFFFFFF0] =	vst v11;
	v7 =	vsel vm8, s0, v7  }
0xd8: {  	[tilespmem:s28+$0x0] =	vst v6;
	s0 =	sadd.s32 s16, s4;
	v6 =	vsel vm2, v15, v7  }
0xd9: {  	s25 =	sadd.s32 s17, s0;
	[tilespmem:$0x1A900] =	vst v6  }
0xda: {  	[spmem:s25] =	stream.linear.scatter [tilespmem:s18], [sflag:$0x1], $0x10, $0x38;
	[tilespmem:$0x1AAA0] =	vst v63  }
0xdb: {  	_ =	swait.ge [sflag:s12], $0x10  }
0xdc: {  	[sflag:s12] =	ssyncset.done $0x0  }
0xdd: {  	[sflag:s12] =	ssyncadd.s32 $0xFFFFFFF0  }
0xde: {  	[bflag:$0x0] =	sbarrier.arrive $0xFFFF  }
0xdf: {  	[tilespmem:s19], [sflag:$0x1] =	stream.linear.gather [spmem:s0], $0x100, $0x38;
	[tilespmem:$0x1AAA0] =	vst v63  }
0xe0: {  	_ =	swait.ge [sflag:s12], $0x100  }
0xe1: {  	[sflag:s12] =	ssyncset.done $0x0  }
0xe2: {  	[sflag:s12] =	ssyncadd.s32 $0xFFFFFF00  }
0xe3: {  	v6 =	vld.idx.msk [tilespmem:v1+s19+$0x0], $0xffff;
	_ =	sdelay $0x4  }
0xe4: {  	(xrf0) =	vmax.scan.msk.f32 $0xffff, v6;
	_ =	sdelay $0x4  }
0xe5: {  	v7 =	vld.idx.msk [tilespmem:v2+s19+$0x0], $0xffff  }
0xe6: {  	v8, _, _ =	vpop (xrf0)  }
0xe7: {  	v12 =	vbroadcast v8, $0xF;
	_ =	sdelay $0x1  }
0xe8: {  	vm8 =	veq.f32 v6, v12  }
0xe9: {  	v8 =	vnsel vm8, $0x4F32D05E, v7  }
0xea: {  	(xrf0) =	vmin.scan.msk.f32 $0xffff, v8;
	_ =	sdelay $0x4  }
0xeb: {  	v8 =	vld.idx.msk [tilespmem:v3+s19+$0x0], $0xffff  }
0xec: {  	v9, _, _ =	vpop (xrf0)  }
0xed: {  	v10 =	vbroadcast v9, $0xF;
	_ =	sdelay $0x1  }
0xee: {  	vm8 =	veq.f32 v7, v10  }
0xef: {  	v11 =	vsel vm8, v8, v6  }
0xf0: {  	(xrf0) =	vmax.scan.msk.f32 $0xffff, v11;
	_ =	sdelay $0x4  }
0xf1: {  	v11 =	vld.idx.msk [tilespmem:v4+s19+$0x0], $0xffff  }
0xf2: {  	v13, _, _ =	vpop (xrf0)  }
0xf3: {  	v14 =	vbroadcast v13, $0xF  }
0xf4: {  	vm12 =	vgt.f32 v7, v10;
	vm8 =	vlt.f32 v7, v10  }
0xf5: {  	vm8 =	vmor vm12, vm8;
	vm13 =	veq.f32 v6, v14;
	vm14 =	veq.f32 v8, v14  }
0xf6: {  	vm8 =	vmand vm8, vm13;
	v6 =	vnsel vm14, $0x4F32D05E, v11  }
0xf7: {  	v6 =	vsel vm8, v7, v6  }
0xf8: {  	(xrf0) =	vmin.scan.msk.f32 $0xffff, v6;
	_ =	sdelay $0x2  }
0xf9: {  	(v2sf) =	vpush v9, $0xF;
	_ =	sdelay $0x2  }
0xfa: {  	(v2sf) =	vpush v13, $0xF;
	v6, _, _ =	vpop (xrf0)  }
0xfb: {  	(v2sf) =	vpush v6, $0xF;
	_ =	sdelay $0xa  }
0xfc: {  	s26 =	spop (v2sf)  }
0xfd: {  	s0 =	scvt.f32.s32 s26;
	_ =	sdelay $0x1  }
0xfe: {  	v6 =	vmov s0;
	s28 =	spop (v2sf)  }
0xff: {  	s29 =	spop (v2sf)  }
0x100: {  	s0 =	scvt.f32.s32 s29;
	_ =	sdelay $0x1  }
0x101: {  	v13 =	vmov s0  }
0x102: {  	v10 =	vld.idx.msk [tilespmem:v6+s5+$0x0], $0xffff  }
0x103: {  	v9 =	vld.idx.msk [tilespmem:v6+s13+$0x0], $0xffff  }
0x104: {  	v8 =	vld.idx.msk [tilespmem:v6+s14+$0x0], $0xffff  }
0x105: {  	v7 =	vld.idx.msk [tilespmem:v6+s15+$0x0], $0xffff  }
0x106: {  	v15 =	vld.idx.msk [tilespmem:v13+s5+$0x0], $0xffff  }
0x107: {  	v16 =	vld.idx.msk [tilespmem:v13+s13+$0x0], $0xffff  }
0x108: {  	v17 =	vld.idx.msk [tilespmem:v13+s14+$0x0], $0xffff  }
0x109: {  	v57 =	vld.idx.msk [tilespmem:v13+s15+$0x0], $0xffff;
	_ =	sdelay $0x2  }
0x10a: {  	v11 =	vld.idx.msk [tilespmem:v6+s20+$0x0], $0xffff  }
0x10b: {  	v6 =	vld.idx.msk [tilespmem:v13+s20+$0x0], $0xffff;
	v13 =	vmin.f32 v8, v17  }
0x10c: {  	v58 =	vmax.f32 v10, v15;
	v59 =	vmin.f32 v7, v57;
	v60 =	vmax.f32 v9, v16  }
0x10d: {  	v13 =	vsub.f32 v13, v58;
	v61 =	vsub.f32 v59, v60;
	_ =	sdelay $0x1  }
0x10e: {  	v13 =	vmax.f32 v13, $0.0e+00;
	v19 =	vmax.f32 v61, $0.0e+00  }
0x10f: {  	v62 =	vadd.f32 v6, v11;
	v13 =	vmul.f32 v19, v13;
	_ =	sdelay $0x1  }
0x110: {  	v19 =	vsub.f32 v62, v13;
	_ =	sdelay $0x1  }
0x111: {  	v19 =	vadd.f32 $9.999999710e-10, v19;
	_ =	sdelay $0x1  }
0x112: {  	(erf) = vrcp.f32 v19;
	_ =	sdelay $0x7  }
0x113: {  	p1 =	sgt.f32 s28, $-5.000000000e-01  }
0x114: {  	p2 =	sne.s32 s24, $0x3E7;
	v19 =	vpop (erf)  }
0x115: {  	p1 =	por !p2, !p1;
	v13 =	vmul.f32 v19, v13  }
0x116: {  	vm8 =	vmmov vm3;
	p1 =	por !p1, !p1  }
0x117: {  	vm8 =	vmneg @p1 vm8;
	vm15 =	vle.f32 v13, $6.999999880e-01  }
0x118: {  	vm8 =	vmand vm8, vm15  }
0x119: {  	v13 =	vsel vm8, $0x1, v5  }
0x11a: {  	v13 =	vor.u32 $0x80000000, v13  }
0x11b: {  	(xrf0) =	vmax.scan.msk.u32 $0xffff, v13;
	_ =	sdelay $0x5  }
0x11c: {  	v13, _, _ =	vpop (xrf0)  }
0x11d: {  	(v2sf) =	vpush v13, $0xF;
	_ =	sdelay $0xc  }
0x11e: {  	s30 =	smul.u32 $0x5, s24;
	_ =	sdelay $0x1  }
0x11f: {  	s0 =	sadd.s32 $0x5, s30;
	s31 =	spop (v2sf)  }
0x120: {  	v63 =	vadd.s32 s0, v0;
	s0 =	sadd.s32 s31, s24  }
0x121: {  	vm9 =	vmand vm8, vm7;
	v13 =	vadd.s32 s30, v0;
	s24 =	sadd.s32 $0x80000001, s0  }
0x122: {  	v12 =	vsel vm4, v12, v7;
	p1 =	slt.s32 s24, $0x3E8  }
.Ltmp2:
0x123: {  	v12 =	vsel vm5, v12, v8;
	v14 =	vsel vm4, v14, v57;
	(pc) =	sbr.rel @p1 .LBB2_4-.Ltmp2, $4  }
0x124: {  	v12 =	vsel vm6, v12, v9;
	v14 =	vsel vm5, v14, v17  }
0x125: {  	v12 =	vsel vm2, v10, v12;
	v14 =	vsel vm6, v14, v16  }
0x126: {  	v14 =	vsel vm2, v15, v14;
	v6 =	vnsel vm8, $0x0, v6;
	[tilespmem:v13+s21+$0x0] =	vst.idx.msk $0x1f, v12;
	v13 =	vnsel vm8, $0x0, v15  }
0x127: {  	s23 =	sxor.u32 $0x1, s23;
	v12 =	vnsel vm8, $0x0, v16;
	v15 =	vnsel vm8, $0x0, v17;
	[tilespmem:v63+s21+$0x0] =	vst.idx.msk vm9, v14;
	v14 =	vnsel vm8, $0x0, v57  }
0x128: {  	s0 =	simm.s32 @!p0 $0x0  }
0x129: {  	s2 =	simm.s32 @!p0 $0x19500;
	s3 =	rddreg [dreg:$0x1];
	s22 =	sadd.s32 $0x1, s22  }
0x12a: {  	[hbm4b:s3+s0] =	stream.linear.scatter @!p0 [tilespmem:s2], [sflag:$0x1], $0x1400, $0x38;
	[tilespmem:$0x1AAA0] =	vst v63  }
0x12b: {  	p1 =	sne.s32 s22, s11  }
.Ltmp3:
0x12c: {  	_ = 	snop;
	(pc) =	sbr.rel @p1 .LBB2_1-.Ltmp3, $4  }
0x12d: {  	s0 =	simm.s32 @!p0 $0x1  }
0x12e: {  	_ =	swait.ge @!p0 [sflag:s0], $0x1400  }
0x12f: {  	[sflag:s0] =	ssyncset.done @!p0 $0x0  }
0x130: {  	[sflag:s0] =	ssyncadd.s32 @!p0 $0xFFFFEC00  }
0x131: {  	_ =	sfence.sel $0x180000  }
0x132: {  	[bflag:$0x0] =	sbarrier.arrive $0xFFFF  }
0x133: {  	_ =	strace $0x90000047  }
0x134: {  	s0 =	stileid.u32;
	[bflag:$0x2] =	sbarrier.arrive $0xFFFF  }
0x135: {  	p0 =	sne.s32 s0, $0x0;
	s0 =	rddreg [dreg:$0x3]  }
0x136: {  	s0 =	sadd.s32 @!p0 $0x100000, s0  }
0x137: {  	[sflag:s0] =	ssyncadd.tile.s32 @!p0 $0x1;
	_ =	shalt  }
.Lfunc_end2:
_tile_overlayer_lowered:
.L_overlay_start_2:
0x138: {  	(tag) =	ssettag $0x2  }
0x139: {  	s0 =	rddreg [dreg:$0x0];
	s2 =	stileid.u32  }
0x13a: {  	s1 =	rddreg [dreg:$0x1];
	p0 =	sne.s32 s2, $0x0  }
0x13b: {  	s3 =	rddreg [dreg:$0x2];
	[bflag:$0x3] =	sbarrier.arrive $0xFFFF;
	s2 =	simm.s32 @!p0 $0x1C01  }
0x13c: {  	[timem:s3], [sflag:s2] =	dma.local @!p0 [hbm:s0], s1  }
0x13d: {  	s0 =	simm.s32 @!p0 $0x1  }
0x13e: {  	_ =	swait.ge @!p0 [sflag:s0], s1  }
0x13f: {  	s1 =	ssub.s32 @!p0 $0x0, s1;
	[sflag:s0] =	ssyncset.done @!p0 $0x0  }
0x140: {  	[sflag:s0] =	ssyncadd.s32 @!p0 s1  }
0x141: {  	[bflag:$0x3] =	sbarrier.arrive $0xFFFF  }
0x142: {  	_ =	shalt  }

</sc_bundles>
